<compile_context>
chip_gen: v7x
topology: tpu7x:2x2x1
jax: 0.10.2.dev20260603
libtpu: 0.0.44.dev20260713+nightly
codegen_flags: <defaults>
</compile_context>

<pallas_src>
import numpy as np

import jax
import jax.numpy as jnp
from jax import lax
from jax.experimental import pallas as pl
from jax.experimental.pallas import tpu as pltpu
from jax.experimental.pallas import tpu_sc as plsc

_N = 262144
_C = 128
_R = _N // _C
_D = 64
_LOGN = 18

_NC = 2
_NS = 16
_NW = _NC * _NS
_CH = 128


def _lex_gt(ap, ai, bp, bi):
    return (ap > bp) | ((ap == bp) & (ai > bi))


def _sort_body(phit_ref, sorted_ref, idx_ref, dphi_ref, didx_ref):
    r_io = lax.broadcasted_iota(jnp.int32, (_R, _C), 0)
    c_io = lax.broadcasted_iota(jnp.int32, (_R, _C), 1)

    phi = jnp.transpose(phit_ref[...])
    idx = c_io * _R + r_io

    _B = 1024

    def row_stage(phi, idx, s, down, aligned=False):
        d = jnp.int32(1) << s
        if aligned:
            d = pl.multiple_of(d, 8)
        dphi_ref[_B:_B + _R] = phi
        didx_ref[_B:_B + _R] = idx
        up = dphi_ref[pl.ds(_B + d, _R)]
        vp = dphi_ref[pl.ds(_B - d, _R)]
        ui = didx_ref[pl.ds(_B + d, _R)]
        vi = didx_ref[pl.ds(_B - d, _R)]
        is_b = ((r_io >> s) & 1) == 1
        pp = jnp.where(is_b, vp, up)
        pi = jnp.where(is_b, vi, ui)
        gt = _lex_gt(phi, idx, pp, pi)
        take = gt ^ down ^ is_b
        return jnp.where(take, pp, phi), jnp.where(take, pi, idx)

    def phase1(k, carry):
        phi, idx = carry
        down = (jnp.where(k <= 10, (r_io >> k) & 1, c_io & 1)) == 1

        def st_a(t, c2):
            return row_stage(*c2, k - 1 - t, down, aligned=True)

        def st_u(t, c2):
            return row_stage(*c2, jnp.minimum(k, 3) - 1 - t, down)

        carry = lax.fori_loop(0, jnp.maximum(k - 3, 0), st_a, carry)
        return lax.fori_loop(0, jnp.minimum(k, 3), st_u, carry)

    phi, idx = lax.fori_loop(1, 12, phase1, (phi, idx))

    def phase2(k, carry):
        phi, idx = carry
        down = ((c_io >> (k - 11)) & 1) == 1
        for u in range(6, -1, -1):
            dist = 1 << u
            is_b = ((c_io >> u) & 1) == 1
            fwd_p = pltpu.roll(phi, dist, 1)
            bwd_p = pltpu.roll(phi, _C - dist, 1)
            fwd_i = pltpu.roll(idx, dist, 1)
            bwd_i = pltpu.roll(idx, _C - dist, 1)
            pp = jnp.where(is_b, fwd_p, bwd_p)
            pi = jnp.where(is_b, fwd_i, bwd_i)
            gt = _lex_gt(phi, idx, pp, pi)
            take = (gt ^ down ^ is_b) & (u <= k - 12)
            phi = jnp.where(take, pp, phi)
            idx = jnp.where(take, pi, idx)

        def st_a(t, c2):
            return row_stage(*c2, 10 - t, down, aligned=True)

        def st_u(t, c2):
            return row_stage(*c2, 2 - t, down)

        carry = lax.fori_loop(0, 8, st_a, (phi, idx))
        return lax.fori_loop(0, 3, st_u, carry)

    phi, idx = lax.fori_loop(12, _LOGN + 1, phase2, (phi, idx))
    sorted_ref[...] = jnp.transpose(phi)
    idx_ref[...] = jnp.transpose(idx)


def _sort(phi_t):
    return pl.pallas_call(
        _sort_body,
        out_shape=[
            jax.ShapeDtypeStruct((_C, _R), jnp.float32),
            jax.ShapeDtypeStruct((_C, _R), jnp.int32),
        ],
        scratch_shapes=[
            pltpu.VMEM((2 * _R, _C), jnp.float32),
            pltpu.VMEM((2 * _R, _C), jnp.int32),
        ],
    )(phi_t)


def _gather_body(emb_hbm, idx_hbm, out_hbm, idx_v, rows0, rows1, sem0, sem1):
    wid = lax.axis_index("s") * _NC + lax.axis_index("c")
    n_chunks = _N // (_NW * _CH)
    base = wid * n_chunks
    pltpu.sync_copy(idx_hbm.at[pl.ds(base, n_chunks)], idx_v)

    pltpu.async_copy(emb_hbm.at[idx_v.at[0]], rows0, sem0)

    def step(g, carry):
        q0 = 2 * g
        q1 = q0 + 1
        pltpu.async_copy(emb_hbm.at[idx_v.at[q1]], rows1, sem1)
        pltpu.make_async_copy(emb_hbm.at[idx_v.at[q0]], rows0, sem0).wait()
        pltpu.sync_copy(rows0, out_hbm.at[pl.ds((base + q0) * _CH, _CH)])

        @pl.when(g < n_chunks // 2 - 1)
        def _():
            pltpu.async_copy(emb_hbm.at[idx_v.at[q0 + 2]], rows0, sem0)

        pltpu.make_async_copy(emb_hbm.at[idx_v.at[q1]], rows1, sem1).wait()
        pltpu.sync_copy(rows1, out_hbm.at[pl.ds((base + q1) * _CH, _CH)])
        return carry

    lax.fori_loop(0, n_chunks // 2, step, 0)


def _gather(emb, idx2):
    n_chunks = _N // (_NW * _CH)
    mesh = plsc.VectorSubcoreMesh(core_axis_name="c", subcore_axis_name="s")
    f = pl.kernel(
        _gather_body,
        out_type=jax.ShapeDtypeStruct((_N, _D), jnp.float32),
        mesh=mesh,
        compiler_params=pltpu.CompilerParams(use_tc_tiling_on_sc=False),
        scratch_types=[
            pltpu.VMEM((n_chunks, _CH), jnp.int32),
            pltpu.VMEM((_CH, _D), jnp.float32),
            pltpu.VMEM((_CH, _D), jnp.float32),
            pltpu.SemaphoreType.DMA,
            pltpu.SemaphoreType.DMA,
        ],
    )
    return f(emb, idx2)


def kernel(key_phi, key_embed):
    phi_t = key_phi.reshape(_C, _R)
    sorted_t, idx_t = _sort(phi_t)
    idx2 = idx_t.reshape(_N).reshape(_R, _C)
    emb = key_embed.reshape(_N, _D)
    out = _gather(emb, idx2)
    return (sorted_t.reshape(1, _N), out.reshape(1, _N, _D))

# --- scband reference (transcript-rebuilt; emitter-appended) ---
"""Pipeline reference for scband-sorter-10247791968769 (READ-ONLY COPY).

The authoritative reference and input builder live on the scoring server;
editing this copy changes nothing except your own understanding.
"""

import jax, jax.numpy as jnp
import numpy as np


def setup_inputs(seed: int = 0) -> dict:
    key = jax.random.key(seed)
    k1, k2 = jax.random.split(key)
    N = 262144
    D = 64
    key_phi = jax.random.uniform(k1, (1, N), dtype=jnp.float32)
    key_embed = jax.random.normal(k2, (1, N, D), dtype=jnp.float32)
    return {"key_phi": key_phi, "key_embed": key_embed}


def reference(key_phi, key_embed):
    # Sorter.sort_inputs for input_hit='key', input_sort_field='phi':
    #   sort_idx = argsort(x['key_phi'], dim=-1); take row 0 if 2D (1D index)
    #   tensors ending in '_embed' are sorted along dim 1; others along dim -1
    sort_idx = jnp.argsort(key_phi, axis=-1)
    sort_idx = sort_idx[0]  # collapse batch dim -> 1D index, as in get_sort_idx
    sorted_phi = jnp.take(key_phi, sort_idx, axis=-1)      # sort_dim = -1
    sorted_embed = jnp.take(key_embed, sort_idx, axis=1)   # sort_dim = 1 for *_embed
    return (sorted_phi, sorted_embed)

if __name__ == "__main__":
    import jax
    _d = setup_inputs()
    print(jax.jit(kernel)(*tuple(_d.values())))

</pallas_src>

<mosaic_0001>
#map = affine_map<(d0, d1) -> (0, 0)>
module attributes {stable_mosaic.version = 14 : i64} {
  func.func @_gather_body(%arg0: i32, %arg1: i32, %arg2: memref<262144x64xf32, #tpu.memory_space<hbm>>, %arg3: memref<2048x128xi32, #tpu.memory_space<hbm>>, %arg4: memref<262144x64xf32, #tpu.memory_space<hbm>>, %arg5: memref<64x128xi32, #tpu.memory_space<vmem>>, %arg6: memref<128x64xf32, #tpu.memory_space<vmem>>, %arg7: memref<128x64xf32, #tpu.memory_space<vmem>>, %arg8: memref<!tpu.dma_semaphore, #tpu.memory_space<semaphore_mem>>, %arg9: memref<!tpu.dma_semaphore, #tpu.memory_space<semaphore_mem>>) attributes {dimension_semantics = [#tpu.dimension_semantics<core_parallel>, #tpu.dimension_semantics<subcore_parallel>], iteration_bounds = array<i64: 2, 16>, scalar_prefetch = 0 : i64, scratch_operands = 5 : i64, tpu.core_type = #tpu.core_type<sc_vector_subcore>, window_params = [{transform_indices = #map}, {transform_indices = #map}, {transform_indices = #map}]} {
    %mul3A = arith.constant 2 : i32
    %mul3A_0 = arith.muli %arg1, %mul3A : i32
    %add3A = arith.addi %mul3A_0, %arg0 : i32
    %mul3A_1 = arith.constant 64 : i32
    %mul3A_2 = arith.muli %add3A, %mul3A_1 : i32
    "tpu.region"() ({
      %run_scoped3A = tpu.sem_alloc : memref<!tpu.dma_semaphore, #tpu.memory_space<semaphore_mem>>
      %dma_start3A_14 = arith.constant 0 : i32
      %dma_start3A_15 = tpu.memref_slice %arg3[%mul3A_2, %dma_start3A_14] : memref<2048x128xi32, #tpu.memory_space<hbm>> -> memref<64x128xi32, #tpu.memory_space<hbm>>
      %dma_start3A_16 = arith.constant 0 : i32
      %dma_start3A_17 = tpu.memref_slice %arg3[%mul3A_2, %dma_start3A_16] : memref<2048x128xi32, #tpu.memory_space<hbm>> -> memref<64x128xi32, #tpu.memory_space<hbm>>
      tpu.enqueue_dma source(%dma_start3A_17 : memref<64x128xi32, #tpu.memory_space<hbm>>) target(%arg5 : memref<64x128xi32, #tpu.memory_space<vmem>>) target_semaphore(%run_scoped3A : memref<!tpu.dma_semaphore, #tpu.memory_space<semaphore_mem>>)
      %dma_wait3A = arith.constant 0 : i32
      %dma_wait3A_18 = tpu.memref_slice %arg3[%mul3A_2, %dma_wait3A] : memref<2048x128xi32, #tpu.memory_space<hbm>> -> memref<64x128xi32, #tpu.memory_space<hbm>>
      %dma_wait3A_19 = arith.constant 0 : i32
      %dma_wait3A_20 = tpu.memref_slice %arg3[%mul3A_2, %dma_wait3A_19] : memref<2048x128xi32, #tpu.memory_space<hbm>> -> memref<64x128xi32, #tpu.memory_space<hbm>>
      tpu.wait_dma2 semaphore(%run_scoped3A : memref<!tpu.dma_semaphore, #tpu.memory_space<semaphore_mem>>) src(%dma_wait3A_20 : memref<64x128xi32, #tpu.memory_space<hbm>>) dst(%arg5 : memref<64x128xi32, #tpu.memory_space<vmem>>)
      tpu.yield
    }) : () -> ()
    %dma_start3A = arith.constant 0 : i32
    %dma_start3A_3 = arith.constant 0 : i32
    %dma_start3A_4 = tpu.memref_slice %arg5[%dma_start3A, %dma_start3A_3] : memref<64x128xi32, #tpu.memory_space<vmem>> -> memref<1x128xi32, #tpu.memory_space<vmem>>
    %dma_start3A_5 = tpu.memref_squeeze %dma_start3A_4 : memref<1x128xi32, #tpu.memory_space<vmem>> -> memref<128xi32, #tpu.memory_space<vmem>>
    %dma_start3A_6 = arith.constant 0 : i32
    %dma_start3A_7 = arith.constant 0 : i32
    %dma_start3A_8 = tpu.memref_slice %arg2[%dma_start3A_6, %dma_start3A_7] : memref<262144x64xf32, #tpu.memory_space<hbm>> -> memref<262144x64xf32, #tpu.memory_space<hbm>>
    tpu.enqueue_indirect_dma source(%dma_start3A_8 : memref<262144x64xf32, #tpu.memory_space<hbm>>) target(%arg6 : memref<128x64xf32, #tpu.memory_space<vmem>>) offsets(%dma_start3A_5 : memref<128xi32, #tpu.memory_space<vmem>>) semaphore(%arg8 : memref<!tpu.dma_semaphore, #tpu.memory_space<semaphore_mem>>)
    %scan3A = arith.constant 0 : i32
    %scan3A_9 = arith.constant 0 : i32
    %scan3A_10 = arith.constant 32 : i32
    %scan3A_11 = arith.addi %scan3A_9, %scan3A_10 : i32
    %scan3A_12 = arith.constant 1 : i32
    scf.for %scan3A_14 = %scan3A_9 to %scan3A_11 step %scan3A_12  : i32 {
      %mul3A_15 = arith.constant 2 : i32
      %mul3A_16 = arith.muli %mul3A_15, %scan3A_14 : i32
      %add3A_17 = arith.constant 1 : i32
      %add3A_18 = arith.addi %mul3A_16, %add3A_17 : i32
      %dma_start3A_19 = arith.constant 0 : i32
      %dma_start3A_20 = tpu.memref_slice %arg5[%add3A_18, %dma_start3A_19] : memref<64x128xi32, #tpu.memory_space<vmem>> -> memref<1x128xi32, #tpu.memory_space<vmem>>
      %dma_start3A_21 = tpu.memref_squeeze %dma_start3A_20 : memref<1x128xi32, #tpu.memory_space<vmem>> -> memref<128xi32, #tpu.memory_space<vmem>>
      %dma_start3A_22 = arith.constant 0 : i32
      %dma_start3A_23 = arith.constant 0 : i32
      %dma_start3A_24 = tpu.memref_slice %arg2[%dma_start3A_22, %dma_start3A_23] : memref<262144x64xf32, #tpu.memory_space<hbm>> -> memref<262144x64xf32, #tpu.memory_space<hbm>>
      tpu.enqueue_indirect_dma source(%dma_start3A_24 : memref<262144x64xf32, #tpu.memory_space<hbm>>) target(%arg7 : memref<128x64xf32, #tpu.memory_space<vmem>>) offsets(%dma_start3A_21 : memref<128xi32, #tpu.memory_space<vmem>>) semaphore(%arg9 : memref<!tpu.dma_semaphore, #tpu.memory_space<semaphore_mem>>)
      %dma_wait3A = arith.constant 0 : i32
      %dma_wait3A_25 = tpu.memref_slice %arg5[%mul3A_16, %dma_wait3A] : memref<64x128xi32, #tpu.memory_space<vmem>> -> memref<1x128xi32, #tpu.memory_space<vmem>>
      %dma_wait3A_26 = tpu.memref_squeeze %dma_wait3A_25 : memref<1x128xi32, #tpu.memory_space<vmem>> -> memref<128xi32, #tpu.memory_space<vmem>>
      %dma_wait3A_27 = arith.constant 0 : i32
      %dma_wait3A_28 = arith.constant 0 : i32
      %dma_wait3A_29 = tpu.memref_slice %arg2[%dma_wait3A_27, %dma_wait3A_28] : memref<262144x64xf32, #tpu.memory_space<hbm>> -> memref<262144x64xf32, #tpu.memory_space<hbm>>
      tpu.wait_indirect_dma semaphore(%arg8 : memref<!tpu.dma_semaphore, #tpu.memory_space<semaphore_mem>>) src(%dma_wait3A_29 : memref<262144x64xf32, #tpu.memory_space<hbm>>) dst(%arg6 : memref<128x64xf32, #tpu.memory_space<vmem>>)
      %add3A_30 = arith.addi %mul3A_2, %mul3A_16 : i32
      %mul3A_31 = arith.constant 128 : i32
      %mul3A_32 = arith.muli %add3A_30, %mul3A_31 : i32
      "tpu.region"() ({
        %run_scoped3A = tpu.sem_alloc : memref<!tpu.dma_semaphore, #tpu.memory_space<semaphore_mem>>
        %dma_start3A_44 = arith.constant 0 : i32
        %dma_start3A_45 = tpu.memref_slice %arg4[%mul3A_32, %dma_start3A_44] : memref<262144x64xf32, #tpu.memory_space<hbm>> -> memref<128x64xf32, #tpu.memory_space<hbm>>
        %dma_start3A_46 = arith.constant 0 : i32
        %dma_start3A_47 = tpu.memref_slice %arg4[%mul3A_32, %dma_start3A_46] : memref<262144x64xf32, #tpu.memory_space<hbm>> -> memref<128x64xf32, #tpu.memory_space<hbm>>
        tpu.enqueue_dma source(%arg6 : memref<128x64xf32, #tpu.memory_space<vmem>>) target(%dma_start3A_47 : memref<128x64xf32, #tpu.memory_space<hbm>>) target_semaphore(%run_scoped3A : memref<!tpu.dma_semaphore, #tpu.memory_space<semaphore_mem>>)
        %dma_wait3A_48 = arith.constant 0 : i32
        %dma_wait3A_49 = tpu.memref_slice %arg4[%mul3A_32, %dma_wait3A_48] : memref<262144x64xf32, #tpu.memory_space<hbm>> -> memref<128x64xf32, #tpu.memory_space<hbm>>
        %dma_wait3A_50 = arith.constant 0 : i32
        %dma_wait3A_51 = tpu.memref_slice %arg4[%mul3A_32, %dma_wait3A_50] : memref<262144x64xf32, #tpu.memory_space<hbm>> -> memref<128x64xf32, #tpu.memory_space<hbm>>
        tpu.wait_dma2 semaphore(%run_scoped3A : memref<!tpu.dma_semaphore, #tpu.memory_space<semaphore_mem>>) src(%arg6 : memref<128x64xf32, #tpu.memory_space<vmem>>) dst(%dma_wait3A_51 : memref<128x64xf32, #tpu.memory_space<hbm>>)
        tpu.yield
      }) : () -> ()
      %lt3A = arith.constant 31 : i32
      %lt3A_33 = arith.cmpi slt, %scan3A_14, %lt3A : i32
      %convert_element_type3A = arith.extui %lt3A_33 : i1 to i32
      %cond3A = arith.constant 0 : i32
      %cond3A_34 = arith.cmpi ne, %convert_element_type3A, %cond3A : i32
      scf.if %cond3A_34 {
        %add3A_44 = arith.constant 2 : i32
        %add3A_45 = arith.addi %mul3A_16, %add3A_44 : i32
        %dma_start3A_46 = arith.constant 0 : i32
        %dma_start3A_47 = tpu.memref_slice %arg5[%add3A_45, %dma_start3A_46] : memref<64x128xi32, #tpu.memory_space<vmem>> -> memref<1x128xi32, #tpu.memory_space<vmem>>
        %dma_start3A_48 = tpu.memref_squeeze %dma_start3A_47 : memref<1x128xi32, #tpu.memory_space<vmem>> -> memref<128xi32, #tpu.memory_space<vmem>>
        %dma_start3A_49 = arith.constant 0 : i32
        %dma_start3A_50 = arith.constant 0 : i32
        %dma_start3A_51 = tpu.memref_slice %arg2[%dma_start3A_49, %dma_start3A_50] : memref<262144x64xf32, #tpu.memory_space<hbm>> -> memref<262144x64xf32, #tpu.memory_space<hbm>>
        tpu.enqueue_indirect_dma source(%dma_start3A_51 : memref<262144x64xf32, #tpu.memory_space<hbm>>) target(%arg6 : memref<128x64xf32, #tpu.memory_space<vmem>>) offsets(%dma_start3A_48 : memref<128xi32, #tpu.memory_space<vmem>>) semaphore(%arg8 : memref<!tpu.dma_semaphore, #tpu.memory_space<semaphore_mem>>)
      } else {
      }
      %dma_wait3A_35 = arith.constant 0 : i32
      %dma_wait3A_36 = tpu.memref_slice %arg5[%add3A_18, %dma_wait3A_35] : memref<64x128xi32, #tpu.memory_space<vmem>> -> memref<1x128xi32, #tpu.memory_space<vmem>>
      %dma_wait3A_37 = tpu.memref_squeeze %dma_wait3A_36 : memref<1x128xi32, #tpu.memory_space<vmem>> -> memref<128xi32, #tpu.memory_space<vmem>>
      %dma_wait3A_38 = arith.constant 0 : i32
      %dma_wait3A_39 = arith.constant 0 : i32
      %dma_wait3A_40 = tpu.memref_slice %arg2[%dma_wait3A_38, %dma_wait3A_39] : memref<262144x64xf32, #tpu.memory_space<hbm>> -> memref<262144x64xf32, #tpu.memory_space<hbm>>
      tpu.wait_indirect_dma semaphore(%arg9 : memref<!tpu.dma_semaphore, #tpu.memory_space<semaphore_mem>>) src(%dma_wait3A_40 : memref<262144x64xf32, #tpu.memory_space<hbm>>) dst(%arg7 : memref<128x64xf32, #tpu.memory_space<vmem>>)
      %add3A_41 = arith.addi %mul3A_2, %add3A_18 : i32
      %mul3A_42 = arith.constant 128 : i32
      %mul3A_43 = arith.muli %add3A_41, %mul3A_42 : i32
      "tpu.region"() ({
        %run_scoped3A = tpu.sem_alloc : memref<!tpu.dma_semaphore, #tpu.memory_space<semaphore_mem>>
        %dma_start3A_44 = arith.constant 0 : i32
        %dma_start3A_45 = tpu.memref_slice %arg4[%mul3A_43, %dma_start3A_44] : memref<262144x64xf32, #tpu.memory_space<hbm>> -> memref<128x64xf32, #tpu.memory_space<hbm>>
        %dma_start3A_46 = arith.constant 0 : i32
        %dma_start3A_47 = tpu.memref_slice %arg4[%mul3A_43, %dma_start3A_46] : memref<262144x64xf32, #tpu.memory_space<hbm>> -> memref<128x64xf32, #tpu.memory_space<hbm>>
        tpu.enqueue_dma source(%arg7 : memref<128x64xf32, #tpu.memory_space<vmem>>) target(%dma_start3A_47 : memref<128x64xf32, #tpu.memory_space<hbm>>) target_semaphore(%run_scoped3A : memref<!tpu.dma_semaphore, #tpu.memory_space<semaphore_mem>>)
        %dma_wait3A_48 = arith.constant 0 : i32
        %dma_wait3A_49 = tpu.memref_slice %arg4[%mul3A_43, %dma_wait3A_48] : memref<262144x64xf32, #tpu.memory_space<hbm>> -> memref<128x64xf32, #tpu.memory_space<hbm>>
        %dma_wait3A_50 = arith.constant 0 : i32
        %dma_wait3A_51 = tpu.memref_slice %arg4[%mul3A_43, %dma_wait3A_50] : memref<262144x64xf32, #tpu.memory_space<hbm>> -> memref<128x64xf32, #tpu.memory_space<hbm>>
        tpu.wait_dma2 semaphore(%run_scoped3A : memref<!tpu.dma_semaphore, #tpu.memory_space<semaphore_mem>>) src(%arg7 : memref<128x64xf32, #tpu.memory_space<vmem>>) dst(%dma_wait3A_51 : memref<128x64xf32, #tpu.memory_space<hbm>>)
        tpu.yield
      }) : () -> ()
    }
    %scan3A_13 = arith.constant 32 : i32
    return
  }
}

module attributes {stable_mosaic.version = 14 : i64} {
  func.func @_sort_body(%arg0: memref<128x2048xf32, #tpu.memory_space<vmem>>, %arg1: memref<128x2048xf32, #tpu.memory_space<vmem>>, %arg2: memref<128x2048xi32, #tpu.memory_space<vmem>>, %arg3: memref<4096x128xf32, #tpu.memory_space<vmem>>, %arg4: memref<4096x128xi32, #tpu.memory_space<vmem>>) attributes {dimension_semantics = [], scalar_prefetch = 0 : i64, scratch_operands = 2 : i64, tpu.core_type = #tpu.core_type<tc>} {
    %iota3A = tpu.iota {dimensions = array<i32: 0>} : vector<2048x128xi32>
    %iota3A_0 = tpu.iota {dimensions = array<i32: 1>} : vector<2048x128xi32>
    %get3A = arith.constant 0 : index
    %get3A_1 = arith.constant 0 : index
    %get3A_2 = vector.load %arg0[%get3A, %get3A_1] : memref<128x2048xf32, #tpu.memory_space<vmem>>, vector<128x2048xf32>
    %transpose3A = tpu.transpose %get3A_2, [1, 0] : vector<128x2048xf32> -> vector<2048x128xf32>
    %mul3A = arith.constant 2048 : i32
    %mul3A_3 = vector.broadcast %mul3A : i32 to vector<2048x128xi32>
    %mul3A_4 = arith.muli %iota3A_0, %mul3A_3 : vector<2048x128xi32>
    %add3A = arith.addi %mul3A_4, %iota3A : vector<2048x128xi32>
    %scan3A = arith.constant 1 : i32
    %scan3A_5 = arith.constant 11 : i32
    %scan3A_6 = arith.addi %scan3A, %scan3A_5 : i32
    %scan3A_7 = arith.constant 1 : i32
    %scan3A_8:2 = scf.for %scan3A_23 = %scan3A to %scan3A_6 step %scan3A_7 iter_args(%scan3A_24 = %transpose3A, %scan3A_25 = %add3A) -> (vector<2048x128xf32>, vector<2048x128xi32>)  : i32 {
      %le3A = arith.constant 10 : i32
      %le3A_26 = arith.cmpi sle, %scan3A_23, %le3A : i32
      %shift_right_arithmetic3A = vector.broadcast %scan3A_23 : i32 to vector<2048x128xi32>
      %shift_right_arithmetic3A_27 = arith.shrsi %iota3A, %shift_right_arithmetic3A : vector<2048x128xi32>
      %and3A = arith.constant 1 : i32
      %and3A_28 = vector.broadcast %and3A : i32 to vector<2048x128xi32>
      %and3A_29 = arith.andi %shift_right_arithmetic3A_27, %and3A_28 : vector<2048x128xi32>
      %and3A_30 = arith.constant 1 : i32
      %and3A_31 = vector.broadcast %and3A_30 : i32 to vector<2048x128xi32>
      %and3A_32 = arith.andi %iota3A_0, %and3A_31 : vector<2048x128xi32>
      %select_n3A = arith.select %le3A_26, %and3A_29, %and3A_32 : vector<2048x128xi32>
      %eq3A = arith.constant 1 : i32
      %eq3A_33 = vector.broadcast %eq3A : i32 to vector<2048x128xi32>
      %eq3A_34 = arith.cmpi eq, %select_n3A, %eq3A_33 : vector<2048x128xi32>
      %sub3A = arith.constant 3 : i32
      %sub3A_35 = arith.subi %scan3A_23, %sub3A : i32
      %max3A = arith.constant 0 : i32
      %max3A_36 = arith.maxsi %sub3A_35, %max3A : i32
      %while3A = arith.constant 0 : i32
      %while3A_37 = arith.subi %max3A_36, %while3A : i32
      %while3A_38 = arith.addi %while3A, %while3A_37 : i32
      %while3A_39 = arith.constant 1 : i32
      %while3A_40 = arith.divsi %while3A_37, %while3A_39 : i32
      %while3A_41 = arith.muli %while3A_40, %while3A_39 : i32
      %while3A_42 = arith.addi %while3A, %while3A_41 : i32
      %while3A_43 = arith.constant 1 : i32
      %while3A_44:2 = scf.for %while3A_59 = %while3A to %while3A_42 step %while3A_43 iter_args(%while3A_60 = %scan3A_24, %while3A_61 = %scan3A_25) -> (vector<2048x128xf32>, vector<2048x128xi32>)  : i32 {
        %sub3A_62 = arith.constant 1 : i32
        %sub3A_63 = arith.subi %scan3A_23, %sub3A_62 : i32
        %sub3A_64 = arith.subi %sub3A_63, %while3A_59 : i32
        %shift_left3A = arith.constant 1 : i32
        %shift_left3A_65 = arith.shli %shift_left3A, %sub3A_64 : i32
        %multiple_of3A = tpu.assume_multiple %shift_left3A_65, 8 : i32
        %swap3A_66 = arith.constant 1024 : index
        %swap3A_67 = arith.constant 0 : index
        %swap3A_68 = vector.load %arg3[%swap3A_66, %swap3A_67] : memref<4096x128xf32, #tpu.memory_space<vmem>>, vector<2048x128xf32>
        tpu.vector_store %arg3[%swap3A_66, %swap3A_67], %while3A_60 {strides = array<i32>} : memref<4096x128xf32, #tpu.memory_space<vmem>>, vector<2048x128xf32>,
        %swap3A_69 = arith.constant 1024 : index
        %swap3A_70 = arith.constant 0 : index
        %swap3A_71 = vector.load %arg4[%swap3A_69, %swap3A_70] : memref<4096x128xi32, #tpu.memory_space<vmem>>, vector<2048x128xi32>
        tpu.vector_store %arg4[%swap3A_69, %swap3A_70], %while3A_61 {strides = array<i32>} : memref<4096x128xi32, #tpu.memory_space<vmem>>, vector<2048x128xi32>,
        %add3A_72 = arith.constant 1024 : i32
        %add3A_73 = arith.addi %add3A_72, %multiple_of3A : i32
        %get3A_74 = arith.index_cast %add3A_73 : i32 to index
        %get3A_75 = arith.constant 0 : index
        %get3A_76 = vector.load %arg3[%get3A_74, %get3A_75] : memref<4096x128xf32, #tpu.memory_space<vmem>>, vector<2048x128xf32>
        %sub3A_77 = arith.constant 1024 : i32
        %sub3A_78 = arith.subi %sub3A_77, %multiple_of3A : i32
        %get3A_79 = arith.index_cast %sub3A_78 : i32 to index
        %get3A_80 = arith.constant 0 : index
        %get3A_81 = vector.load %arg3[%get3A_79, %get3A_80] : memref<4096x128xf32, #tpu.memory_space<vmem>>, vector<2048x128xf32>
        %add3A_82 = arith.constant 1024 : i32
        %add3A_83 = arith.addi %add3A_82, %multiple_of3A : i32
        %get3A_84 = arith.index_cast %add3A_83 : i32 to index
        %get3A_85 = arith.constant 0 : index
        %get3A_86 = vector.load %arg4[%get3A_84, %get3A_85] : memref<4096x128xi32, #tpu.memory_space<vmem>>, vector<2048x128xi32>
        %sub3A_87 = arith.constant 1024 : i32
        %sub3A_88 = arith.subi %sub3A_87, %multiple_of3A : i32
        %get3A_89 = arith.index_cast %sub3A_88 : i32 to index
        %get3A_90 = arith.constant 0 : index
        %get3A_91 = vector.load %arg4[%get3A_89, %get3A_90] : memref<4096x128xi32, #tpu.memory_space<vmem>>, vector<2048x128xi32>
        %shift_right_arithmetic3A_92 = vector.broadcast %sub3A_64 : i32 to vector<2048x128xi32>
        %shift_right_arithmetic3A_93 = arith.shrsi %iota3A, %shift_right_arithmetic3A_92 : vector<2048x128xi32>
        %and3A_94 = arith.constant 1 : i32
        %and3A_95 = vector.broadcast %and3A_94 : i32 to vector<2048x128xi32>
        %and3A_96 = arith.andi %shift_right_arithmetic3A_93, %and3A_95 : vector<2048x128xi32>
        %eq3A_97 = arith.constant 1 : i32
        %eq3A_98 = vector.broadcast %eq3A_97 : i32 to vector<2048x128xi32>
        %eq3A_99 = arith.cmpi eq, %and3A_96, %eq3A_98 : vector<2048x128xi32>
        %select_n3A_100 = arith.select %eq3A_99, %get3A_81, %get3A_76 : vector<2048x128xi1>, vector<2048x128xf32>
        %select_n3A_101 = arith.select %eq3A_99, %get3A_91, %get3A_86 : vector<2048x128xi1>, vector<2048x128xi32>
        %gt3A = arith.cmpf ogt, %while3A_60, %select_n3A_100 : vector<2048x128xf32>
        %eq3A_102 = arith.cmpf oeq, %while3A_60, %select_n3A_100 : vector<2048x128xf32>
        %gt3A_103 = arith.cmpi sgt, %while3A_61, %select_n3A_101 : vector<2048x128xi32>
        %and3A_104 = arith.andi %eq3A_102, %gt3A_103 : vector<2048x128xi1>
        %or3A = arith.ori %gt3A, %and3A_104 : vector<2048x128xi1>
        %xor3A = arith.xori %or3A, %eq3A_34 : vector<2048x128xi1>
        %xor3A_105 = arith.xori %xor3A, %eq3A_99 : vector<2048x128xi1>
        %select_n3A_106 = arith.select %xor3A_105, %select_n3A_100, %while3A_60 : vector<2048x128xi1>, vector<2048x128xf32>
        %select_n3A_107 = arith.select %xor3A_105, %select_n3A_101, %while3A_61 : vector<2048x128xi1>, vector<2048x128xi32>
        scf.yield %select_n3A_106, %select_n3A_107 : vector<2048x128xf32>, vector<2048x128xi32>
      }
      %while3A_45 = arith.constant 1 : i32
      %while3A_46:2 = scf.for %while3A_59 = %while3A_42 to %while3A_38 step %while3A_45 iter_args(%while3A_60 = %while3A_44#0, %while3A_61 = %while3A_44#1) -> (vector<2048x128xf32>, vector<2048x128xi32>)  : i32 {
        %sub3A_62 = arith.constant 1 : i32
        %sub3A_63 = arith.subi %scan3A_23, %sub3A_62 : i32
        %sub3A_64 = arith.subi %sub3A_63, %while3A_59 : i32
        %shift_left3A = arith.constant 1 : i32
        %shift_left3A_65 = arith.shli %shift_left3A, %sub3A_64 : i32
        %multiple_of3A = tpu.assume_multiple %shift_left3A_65, 8 : i32
        %swap3A_66 = arith.constant 1024 : index
        %swap3A_67 = arith.constant 0 : index
        %swap3A_68 = vector.load %arg3[%swap3A_66, %swap3A_67] : memref<4096x128xf32, #tpu.memory_space<vmem>>, vector<2048x128xf32>
        tpu.vector_store %arg3[%swap3A_66, %swap3A_67], %while3A_60 {strides = array<i32>} : memref<4096x128xf32, #tpu.memory_space<vmem>>, vector<2048x128xf32>,
        %swap3A_69 = arith.constant 1024 : index
        %swap3A_70 = arith.constant 0 : index
        %swap3A_71 = vector.load %arg4[%swap3A_69, %swap3A_70] : memref<4096x128xi32, #tpu.memory_space<vmem>>, vector<2048x128xi32>
        tpu.vector_store %arg4[%swap3A_69, %swap3A_70], %while3A_61 {strides = array<i32>} : memref<4096x128xi32, #tpu.memory_space<vmem>>, vector<2048x128xi32>,
        %add3A_72 = arith.constant 1024 : i32
        %add3A_73 = arith.addi %add3A_72, %multiple_of3A : i32
        %get3A_74 = arith.index_cast %add3A_73 : i32 to index
        %get3A_75 = arith.constant 0 : index
        %get3A_76 = vector.load %arg3[%get3A_74, %get3A_75] : memref<4096x128xf32, #tpu.memory_space<vmem>>, vector<2048x128xf32>
        %sub3A_77 = arith.constant 1024 : i32
        %sub3A_78 = arith.subi %sub3A_77, %multiple_of3A : i32
        %get3A_79 = arith.index_cast %sub3A_78 : i32 to index
        %get3A_80 = arith.constant 0 : index
        %get3A_81 = vector.load %arg3[%get3A_79, %get3A_80] : memref<4096x128xf32, #tpu.memory_space<vmem>>, vector<2048x128xf32>
        %add3A_82 = arith.constant 1024 : i32
        %add3A_83 = arith.addi %add3A_82, %multiple_of3A : i32
        %get3A_84 = arith.index_cast %add3A_83 : i32 to index
        %get3A_85 = arith.constant 0 : index
        %get3A_86 = vector.load %arg4[%get3A_84, %get3A_85] : memref<4096x128xi32, #tpu.memory_space<vmem>>, vector<2048x128xi32>
        %sub3A_87 = arith.constant 1024 : i32
        %sub3A_88 = arith.subi %sub3A_87, %multiple_of3A : i32
        %get3A_89 = arith.index_cast %sub3A_88 : i32 to index
        %get3A_90 = arith.constant 0 : index
        %get3A_91 = vector.load %arg4[%get3A_89, %get3A_90] : memref<4096x128xi32, #tpu.memory_space<vmem>>, vector<2048x128xi32>
        %shift_right_arithmetic3A_92 = vector.broadcast %sub3A_64 : i32 to vector<2048x128xi32>
        %shift_right_arithmetic3A_93 = arith.shrsi %iota3A, %shift_right_arithmetic3A_92 : vector<2048x128xi32>
        %and3A_94 = arith.constant 1 : i32
        %and3A_95 = vector.broadcast %and3A_94 : i32 to vector<2048x128xi32>
        %and3A_96 = arith.andi %shift_right_arithmetic3A_93, %and3A_95 : vector<2048x128xi32>
        %eq3A_97 = arith.constant 1 : i32
        %eq3A_98 = vector.broadcast %eq3A_97 : i32 to vector<2048x128xi32>
        %eq3A_99 = arith.cmpi eq, %and3A_96, %eq3A_98 : vector<2048x128xi32>
        %select_n3A_100 = arith.select %eq3A_99, %get3A_81, %get3A_76 : vector<2048x128xi1>, vector<2048x128xf32>
        %select_n3A_101 = arith.select %eq3A_99, %get3A_91, %get3A_86 : vector<2048x128xi1>, vector<2048x128xi32>
        %gt3A = arith.cmpf ogt, %while3A_60, %select_n3A_100 : vector<2048x128xf32>
        %eq3A_102 = arith.cmpf oeq, %while3A_60, %select_n3A_100 : vector<2048x128xf32>
        %gt3A_103 = arith.cmpi sgt, %while3A_61, %select_n3A_101 : vector<2048x128xi32>
        %and3A_104 = arith.andi %eq3A_102, %gt3A_103 : vector<2048x128xi1>
        %or3A = arith.ori %gt3A, %and3A_104 : vector<2048x128xi1>
        %xor3A = arith.xori %or3A, %eq3A_34 : vector<2048x128xi1>
        %xor3A_105 = arith.xori %xor3A, %eq3A_99 : vector<2048x128xi1>
        %select_n3A_106 = arith.select %xor3A_105, %select_n3A_100, %while3A_60 : vector<2048x128xi1>, vector<2048x128xf32>
        %select_n3A_107 = arith.select %xor3A_105, %select_n3A_101, %while3A_61 : vector<2048x128xi1>, vector<2048x128xi32>
        scf.yield %select_n3A_106, %select_n3A_107 : vector<2048x128xf32>, vector<2048x128xi32>
      }
      %min3A = arith.constant 3 : i32
      %min3A_47 = arith.minsi %scan3A_23, %min3A : i32
      %while3A_48 = arith.constant 0 : i32
      %while3A_49 = arith.subi %min3A_47, %while3A_48 : i32
      %while3A_50 = arith.addi %while3A_48, %while3A_49 : i32
      %while3A_51 = arith.constant 1 : i32
      %while3A_52 = arith.divsi %while3A_49, %while3A_51 : i32
      %while3A_53 = arith.muli %while3A_52, %while3A_51 : i32
      %while3A_54 = arith.addi %while3A_48, %while3A_53 : i32
      %while3A_55 = arith.constant 1 : i32
      %while3A_56:2 = scf.for %while3A_59 = %while3A_48 to %while3A_54 step %while3A_55 iter_args(%while3A_60 = %while3A_46#0, %while3A_61 = %while3A_46#1) -> (vector<2048x128xf32>, vector<2048x128xi32>)  : i32 {
        %min3A_62 = arith.constant 3 : i32
        %min3A_63 = arith.minsi %scan3A_23, %min3A_62 : i32
        %sub3A_64 = arith.constant 1 : i32
        %sub3A_65 = arith.subi %min3A_63, %sub3A_64 : i32
        %sub3A_66 = arith.subi %sub3A_65, %while3A_59 : i32
        %shift_left3A = arith.constant 1 : i32
        %shift_left3A_67 = arith.shli %shift_left3A, %sub3A_66 : i32
        %swap3A_68 = arith.constant 1024 : index
        %swap3A_69 = arith.constant 0 : index
        %swap3A_70 = vector.load %arg3[%swap3A_68, %swap3A_69] : memref<4096x128xf32, #tpu.memory_space<vmem>>, vector<2048x128xf32>
        tpu.vector_store %arg3[%swap3A_68, %swap3A_69], %while3A_60 {strides = array<i32>} : memref<4096x128xf32, #tpu.memory_space<vmem>>, vector<2048x128xf32>,
        %swap3A_71 = arith.constant 1024 : index
        %swap3A_72 = arith.constant 0 : index
        %swap3A_73 = vector.load %arg4[%swap3A_71, %swap3A_72] : memref<4096x128xi32, #tpu.memory_space<vmem>>, vector<2048x128xi32>
        tpu.vector_store %arg4[%swap3A_71, %swap3A_72], %while3A_61 {strides = array<i32>} : memref<4096x128xi32, #tpu.memory_space<vmem>>, vector<2048x128xi32>,
        %add3A_74 = arith.constant 1024 : i32
        %add3A_75 = arith.addi %add3A_74, %shift_left3A_67 : i32
        %get3A_76 = arith.index_cast %add3A_75 : i32 to index
        %get3A_77 = arith.constant 0 : index
        %get3A_78 = vector.load %arg3[%get3A_76, %get3A_77] : memref<4096x128xf32, #tpu.memory_space<vmem>>, vector<2048x128xf32>
        %sub3A_79 = arith.constant 1024 : i32
        %sub3A_80 = arith.subi %sub3A_79, %shift_left3A_67 : i32
        %get3A_81 = arith.index_cast %sub3A_80 : i32 to index
        %get3A_82 = arith.constant 0 : index
        %get3A_83 = vector.load %arg3[%get3A_81, %get3A_82] : memref<4096x128xf32, #tpu.memory_space<vmem>>, vector<2048x128xf32>
        %add3A_84 = arith.constant 1024 : i32
        %add3A_85 = arith.addi %add3A_84, %shift_left3A_67 : i32
        %get3A_86 = arith.index_cast %add3A_85 : i32 to index
        %get3A_87 = arith.constant 0 : index
        %get3A_88 = vector.load %arg4[%get3A_86, %get3A_87] : memref<4096x128xi32, #tpu.memory_space<vmem>>, vector<2048x128xi32>
        %sub3A_89 = arith.constant 1024 : i32
        %sub3A_90 = arith.subi %sub3A_89, %shift_left3A_67 : i32
        %get3A_91 = arith.index_cast %sub3A_90 : i32 to index
        %get3A_92 = arith.constant 0 : index
        %get3A_93 = vector.load %arg4[%get3A_91, %get3A_92] : memref<4096x128xi32, #tpu.memory_space<vmem>>, vector<2048x128xi32>
        %shift_right_arithmetic3A_94 = vector.broadcast %sub3A_66 : i32 to vector<2048x128xi32>
        %shift_right_arithmetic3A_95 = arith.shrsi %iota3A, %shift_right_arithmetic3A_94 : vector<2048x128xi32>
        %and3A_96 = arith.constant 1 : i32
        %and3A_97 = vector.broadcast %and3A_96 : i32 to vector<2048x128xi32>
        %and3A_98 = arith.andi %shift_right_arithmetic3A_95, %and3A_97 : vector<2048x128xi32>
        %eq3A_99 = arith.constant 1 : i32
        %eq3A_100 = vector.broadcast %eq3A_99 : i32 to vector<2048x128xi32>
        %eq3A_101 = arith.cmpi eq, %and3A_98, %eq3A_100 : vector<2048x128xi32>
        %select_n3A_102 = arith.select %eq3A_101, %get3A_83, %get3A_78 : vector<2048x128xi1>, vector<2048x128xf32>
        %select_n3A_103 = arith.select %eq3A_101, %get3A_93, %get3A_88 : vector<2048x128xi1>, vector<2048x128xi32>
        %gt3A = arith.cmpf ogt, %while3A_60, %select_n3A_102 : vector<2048x128xf32>
        %eq3A_104 = arith.cmpf oeq, %while3A_60, %select_n3A_102 : vector<2048x128xf32>
        %gt3A_105 = arith.cmpi sgt, %while3A_61, %select_n3A_103 : vector<2048x128xi32>
        %and3A_106 = arith.andi %eq3A_104, %gt3A_105 : vector<2048x128xi1>
        %or3A = arith.ori %gt3A, %and3A_106 : vector<2048x128xi1>
        %xor3A = arith.xori %or3A, %eq3A_34 : vector<2048x128xi1>
        %xor3A_107 = arith.xori %xor3A, %eq3A_101 : vector<2048x128xi1>
        %select_n3A_108 = arith.select %xor3A_107, %select_n3A_102, %while3A_60 : vector<2048x128xi1>, vector<2048x128xf32>
        %select_n3A_109 = arith.select %xor3A_107, %select_n3A_103, %while3A_61 : vector<2048x128xi1>, vector<2048x128xi32>
        scf.yield %select_n3A_108, %select_n3A_109 : vector<2048x128xf32>, vector<2048x128xi32>
      }
      %while3A_57 = arith.constant 1 : i32
      %while3A_58:2 = scf.for %while3A_59 = %while3A_54 to %while3A_50 step %while3A_57 iter_args(%while3A_60 = %while3A_56#0, %while3A_61 = %while3A_56#1) -> (vector<2048x128xf32>, vector<2048x128xi32>)  : i32 {
        %min3A_62 = arith.constant 3 : i32
        %min3A_63 = arith.minsi %scan3A_23, %min3A_62 : i32
        %sub3A_64 = arith.constant 1 : i32
        %sub3A_65 = arith.subi %min3A_63, %sub3A_64 : i32
        %sub3A_66 = arith.subi %sub3A_65, %while3A_59 : i32
        %shift_left3A = arith.constant 1 : i32
        %shift_left3A_67 = arith.shli %shift_left3A, %sub3A_66 : i32
        %swap3A_68 = arith.constant 1024 : index
        %swap3A_69 = arith.constant 0 : index
        %swap3A_70 = vector.load %arg3[%swap3A_68, %swap3A_69] : memref<4096x128xf32, #tpu.memory_space<vmem>>, vector<2048x128xf32>
        tpu.vector_store %arg3[%swap3A_68, %swap3A_69], %while3A_60 {strides = array<i32>} : memref<4096x128xf32, #tpu.memory_space<vmem>>, vector<2048x128xf32>,
        %swap3A_71 = arith.constant 1024 : index
        %swap3A_72 = arith.constant 0 : index
        %swap3A_73 = vector.load %arg4[%swap3A_71, %swap3A_72] : memref<4096x128xi32, #tpu.memory_space<vmem>>, vector<2048x128xi32>
        tpu.vector_store %arg4[%swap3A_71, %swap3A_72], %while3A_61 {strides = array<i32>} : memref<4096x128xi32, #tpu.memory_space<vmem>>, vector<2048x128xi32>,
        %add3A_74 = arith.constant 1024 : i32
        %add3A_75 = arith.addi %add3A_74, %shift_left3A_67 : i32
        %get3A_76 = arith.index_cast %add3A_75 : i32 to index
        %get3A_77 = arith.constant 0 : index
        %get3A_78 = vector.load %arg3[%get3A_76, %get3A_77] : memref<4096x128xf32, #tpu.memory_space<vmem>>, vector<2048x128xf32>
        %sub3A_79 = arith.constant 1024 : i32
        %sub3A_80 = arith.subi %sub3A_79, %shift_left3A_67 : i32
        %get3A_81 = arith.index_cast %sub3A_80 : i32 to index
        %get3A_82 = arith.constant 0 : index
        %get3A_83 = vector.load %arg3[%get3A_81, %get3A_82] : memref<4096x128xf32, #tpu.memory_space<vmem>>, vector<2048x128xf32>
        %add3A_84 = arith.constant 1024 : i32
        %add3A_85 = arith.addi %add3A_84, %shift_left3A_67 : i32
        %get3A_86 = arith.index_cast %add3A_85 : i32 to index
        %get3A_87 = arith.constant 0 : index
        %get3A_88 = vector.load %arg4[%get3A_86, %get3A_87] : memref<4096x128xi32, #tpu.memory_space<vmem>>, vector<2048x128xi32>
        %sub3A_89 = arith.constant 1024 : i32
        %sub3A_90 = arith.subi %sub3A_89, %shift_left3A_67 : i32
        %get3A_91 = arith.index_cast %sub3A_90 : i32 to index
        %get3A_92 = arith.constant 0 : index
        %get3A_93 = vector.load %arg4[%get3A_91, %get3A_92] : memref<4096x128xi32, #tpu.memory_space<vmem>>, vector<2048x128xi32>
        %shift_right_arithmetic3A_94 = vector.broadcast %sub3A_66 : i32 to vector<2048x128xi32>
        %shift_right_arithmetic3A_95 = arith.shrsi %iota3A, %shift_right_arithmetic3A_94 : vector<2048x128xi32>
        %and3A_96 = arith.constant 1 : i32
        %and3A_97 = vector.broadcast %and3A_96 : i32 to vector<2048x128xi32>
        %and3A_98 = arith.andi %shift_right_arithmetic3A_95, %and3A_97 : vector<2048x128xi32>
        %eq3A_99 = arith.constant 1 : i32
        %eq3A_100 = vector.broadcast %eq3A_99 : i32 to vector<2048x128xi32>
        %eq3A_101 = arith.cmpi eq, %and3A_98, %eq3A_100 : vector<2048x128xi32>
        %select_n3A_102 = arith.select %eq3A_101, %get3A_83, %get3A_78 : vector<2048x128xi1>, vector<2048x128xf32>
        %select_n3A_103 = arith.select %eq3A_101, %get3A_93, %get3A_88 : vector<2048x128xi1>, vector<2048x128xi32>
        %gt3A = arith.cmpf ogt, %while3A_60, %select_n3A_102 : vector<2048x128xf32>
        %eq3A_104 = arith.cmpf oeq, %while3A_60, %select_n3A_102 : vector<2048x128xf32>
        %gt3A_105 = arith.cmpi sgt, %while3A_61, %select_n3A_103 : vector<2048x128xi32>
        %and3A_106 = arith.andi %eq3A_104, %gt3A_105 : vector<2048x128xi1>
        %or3A = arith.ori %gt3A, %and3A_106 : vector<2048x128xi1>
        %xor3A = arith.xori %or3A, %eq3A_34 : vector<2048x128xi1>
        %xor3A_107 = arith.xori %xor3A, %eq3A_101 : vector<2048x128xi1>
        %select_n3A_108 = arith.select %xor3A_107, %select_n3A_102, %while3A_60 : vector<2048x128xi1>, vector<2048x128xf32>
        %select_n3A_109 = arith.select %xor3A_107, %select_n3A_103, %while3A_61 : vector<2048x128xi1>, vector<2048x128xi32>
        scf.yield %select_n3A_108, %select_n3A_109 : vector<2048x128xf32>, vector<2048x128xi32>
      }
      scf.yield %while3A_58#0, %while3A_58#1 : vector<2048x128xf32>, vector<2048x128xi32>
    }
    %scan3A_9 = arith.constant 11 : i32
    %scan3A_10 = arith.constant 12 : i32
    %scan3A_11 = arith.constant 7 : i32
    %scan3A_12 = arith.addi %scan3A_10, %scan3A_11 : i32
    %scan3A_13 = arith.constant 1 : i32
    %scan3A_14:2 = scf.for %scan3A_23 = %scan3A_10 to %scan3A_12 step %scan3A_13 iter_args(%scan3A_24 = %scan3A_8#0, %scan3A_25 = %scan3A_8#1) -> (vector<2048x128xf32>, vector<2048x128xi32>)  : i32 {
      %sub3A = arith.constant 11 : i32
      %sub3A_26 = arith.subi %scan3A_23, %sub3A : i32
      %shift_right_arithmetic3A = vector.broadcast %sub3A_26 : i32 to vector<2048x128xi32>
      %shift_right_arithmetic3A_27 = arith.shrsi %iota3A_0, %shift_right_arithmetic3A : vector<2048x128xi32>
      %and3A = arith.constant 1 : i32
      %and3A_28 = vector.broadcast %and3A : i32 to vector<2048x128xi32>
      %and3A_29 = arith.andi %shift_right_arithmetic3A_27, %and3A_28 : vector<2048x128xi32>
      %eq3A = arith.constant 1 : i32
      %eq3A_30 = vector.broadcast %eq3A : i32 to vector<2048x128xi32>
      %eq3A_31 = arith.cmpi eq, %and3A_29, %eq3A_30 : vector<2048x128xi32>
      %shift_right_arithmetic3A_32 = arith.constant 6 : i32
      %shift_right_arithmetic3A_33 = vector.broadcast %shift_right_arithmetic3A_32 : i32 to vector<2048x128xi32>
      %shift_right_arithmetic3A_34 = arith.shrsi %iota3A_0, %shift_right_arithmetic3A_33 : vector<2048x128xi32>
      %and3A_35 = arith.constant 1 : i32
      %and3A_36 = vector.broadcast %and3A_35 : i32 to vector<2048x128xi32>
      %and3A_37 = arith.andi %shift_right_arithmetic3A_34, %and3A_36 : vector<2048x128xi32>
      %eq3A_38 = arith.constant 1 : i32
      %eq3A_39 = vector.broadcast %eq3A_38 : i32 to vector<2048x128xi32>
      %eq3A_40 = arith.cmpi eq, %and3A_37, %eq3A_39 : vector<2048x128xi32>
      %roll3A = arith.constant 64 : i32
      %roll3A_41 = tpu.dynamic_rotate %scan3A_24 by %roll3A dim 1 : vector<2048x128xf32>, i32 -> vector<2048x128xf32>
      %roll3A_42 = arith.constant 64 : i32
      %roll3A_43 = tpu.dynamic_rotate %scan3A_24 by %roll3A_42 dim 1 : vector<2048x128xf32>, i32 -> vector<2048x128xf32>
      %roll3A_44 = arith.constant 64 : i32
      %roll3A_45 = tpu.dynamic_rotate %scan3A_25 by %roll3A_44 dim 1 : vector<2048x128xi32>, i32 -> vector<2048x128xi32>
      %roll3A_46 = arith.constant 64 : i32
      %roll3A_47 = tpu.dynamic_rotate %scan3A_25 by %roll3A_46 dim 1 : vector<2048x128xi32>, i32 -> vector<2048x128xi32>
      %select_n3A = arith.select %eq3A_40, %roll3A_41, %roll3A_43 : vector<2048x128xi1>, vector<2048x128xf32>
      %select_n3A_48 = arith.select %eq3A_40, %roll3A_45, %roll3A_47 : vector<2048x128xi1>, vector<2048x128xi32>
      %gt3A = arith.cmpf ogt, %scan3A_24, %select_n3A : vector<2048x128xf32>
      %eq3A_49 = arith.cmpf oeq, %scan3A_24, %select_n3A : vector<2048x128xf32>
      %gt3A_50 = arith.cmpi sgt, %scan3A_25, %select_n3A_48 : vector<2048x128xi32>
      %and3A_51 = arith.andi %eq3A_49, %gt3A_50 : vector<2048x128xi1>
      %or3A = arith.ori %gt3A, %and3A_51 : vector<2048x128xi1>
      %xor3A = arith.xori %or3A, %eq3A_31 : vector<2048x128xi1>
      %xor3A_52 = arith.xori %xor3A, %eq3A_40 : vector<2048x128xi1>
      %sub3A_53 = arith.constant 12 : i32
      %sub3A_54 = arith.subi %scan3A_23, %sub3A_53 : i32
      %ge3A = arith.constant 6 : i32
      %ge3A_55 = arith.cmpi sge, %sub3A_54, %ge3A : i32
      %and3A_56 = vector.broadcast %ge3A_55 : i1 to vector<2048x128xi1>
      %and3A_57 = arith.andi %xor3A_52, %and3A_56 : vector<2048x128xi1>
      %select_n3A_58 = arith.select %and3A_57, %select_n3A, %scan3A_24 : vector<2048x128xi1>, vector<2048x128xf32>
      %select_n3A_59 = arith.select %and3A_57, %select_n3A_48, %scan3A_25 : vector<2048x128xi1>, vector<2048x128xi32>
      %shift_right_arithmetic3A_60 = arith.constant 5 : i32
      %shift_right_arithmetic3A_61 = vector.broadcast %shift_right_arithmetic3A_60 : i32 to vector<2048x128xi32>
      %shift_right_arithmetic3A_62 = arith.shrsi %iota3A_0, %shift_right_arithmetic3A_61 : vector<2048x128xi32>
      %and3A_63 = arith.constant 1 : i32
      %and3A_64 = vector.broadcast %and3A_63 : i32 to vector<2048x128xi32>
      %and3A_65 = arith.andi %shift_right_arithmetic3A_62, %and3A_64 : vector<2048x128xi32>
      %eq3A_66 = arith.constant 1 : i32
      %eq3A_67 = vector.broadcast %eq3A_66 : i32 to vector<2048x128xi32>
      %eq3A_68 = arith.cmpi eq, %and3A_65, %eq3A_67 : vector<2048x128xi32>
      %roll3A_69 = arith.constant 32 : i32
      %roll3A_70 = tpu.dynamic_rotate %select_n3A_58 by %roll3A_69 dim 1 : vector<2048x128xf32>, i32 -> vector<2048x128xf32>
      %roll3A_71 = arith.constant 96 : i32
      %roll3A_72 = tpu.dynamic_rotate %select_n3A_58 by %roll3A_71 dim 1 : vector<2048x128xf32>, i32 -> vector<2048x128xf32>
      %roll3A_73 = arith.constant 32 : i32
      %roll3A_74 = tpu.dynamic_rotate %select_n3A_59 by %roll3A_73 dim 1 : vector<2048x128xi32>, i32 -> vector<2048x128xi32>
      %roll3A_75 = arith.constant 96 : i32
      %roll3A_76 = tpu.dynamic_rotate %select_n3A_59 by %roll3A_75 dim 1 : vector<2048x128xi32>, i32 -> vector<2048x128xi32>
      %select_n3A_77 = arith.select %eq3A_68, %roll3A_70, %roll3A_72 : vector<2048x128xi1>, vector<2048x128xf32>
      %select_n3A_78 = arith.select %eq3A_68, %roll3A_74, %roll3A_76 : vector<2048x128xi1>, vector<2048x128xi32>
      %gt3A_79 = arith.cmpf ogt, %select_n3A_58, %select_n3A_77 : vector<2048x128xf32>
      %eq3A_80 = arith.cmpf oeq, %select_n3A_58, %select_n3A_77 : vector<2048x128xf32>
      %gt3A_81 = arith.cmpi sgt, %select_n3A_59, %select_n3A_78 : vector<2048x128xi32>
      %and3A_82 = arith.andi %eq3A_80, %gt3A_81 : vector<2048x128xi1>
      %or3A_83 = arith.ori %gt3A_79, %and3A_82 : vector<2048x128xi1>
      %xor3A_84 = arith.xori %or3A_83, %eq3A_31 : vector<2048x128xi1>
      %xor3A_85 = arith.xori %xor3A_84, %eq3A_68 : vector<2048x128xi1>
      %sub3A_86 = arith.constant 12 : i32
      %sub3A_87 = arith.subi %scan3A_23, %sub3A_86 : i32
      %ge3A_88 = arith.constant 5 : i32
      %ge3A_89 = arith.cmpi sge, %sub3A_87, %ge3A_88 : i32
      %and3A_90 = vector.broadcast %ge3A_89 : i1 to vector<2048x128xi1>
      %and3A_91 = arith.andi %xor3A_85, %and3A_90 : vector<2048x128xi1>
      %select_n3A_92 = arith.select %and3A_91, %select_n3A_77, %select_n3A_58 : vector<2048x128xi1>, vector<2048x128xf32>
      %select_n3A_93 = arith.select %and3A_91, %select_n3A_78, %select_n3A_59 : vector<2048x128xi1>, vector<2048x128xi32>
      %shift_right_arithmetic3A_94 = arith.constant 4 : i32
      %shift_right_arithmetic3A_95 = vector.broadcast %shift_right_arithmetic3A_94 : i32 to vector<2048x128xi32>
      %shift_right_arithmetic3A_96 = arith.shrsi %iota3A_0, %shift_right_arithmetic3A_95 : vector<2048x128xi32>
      %and3A_97 = arith.constant 1 : i32
      %and3A_98 = vector.broadcast %and3A_97 : i32 to vector<2048x128xi32>
      %and3A_99 = arith.andi %shift_right_arithmetic3A_96, %and3A_98 : vector<2048x128xi32>
      %eq3A_100 = arith.constant 1 : i32
      %eq3A_101 = vector.broadcast %eq3A_100 : i32 to vector<2048x128xi32>
      %eq3A_102 = arith.cmpi eq, %and3A_99, %eq3A_101 : vector<2048x128xi32>
      %roll3A_103 = arith.constant 16 : i32
      %roll3A_104 = tpu.dynamic_rotate %select_n3A_92 by %roll3A_103 dim 1 : vector<2048x128xf32>, i32 -> vector<2048x128xf32>
      %roll3A_105 = arith.constant 112 : i32
      %roll3A_106 = tpu.dynamic_rotate %select_n3A_92 by %roll3A_105 dim 1 : vector<2048x128xf32>, i32 -> vector<2048x128xf32>
      %roll3A_107 = arith.constant 16 : i32
      %roll3A_108 = tpu.dynamic_rotate %select_n3A_93 by %roll3A_107 dim 1 : vector<2048x128xi32>, i32 -> vector<2048x128xi32>
      %roll3A_109 = arith.constant 112 : i32
      %roll3A_110 = tpu.dynamic_rotate %select_n3A_93 by %roll3A_109 dim 1 : vector<2048x128xi32>, i32 -> vector<2048x128xi32>
      %select_n3A_111 = arith.select %eq3A_102, %roll3A_104, %roll3A_106 : vector<2048x128xi1>, vector<2048x128xf32>
      %select_n3A_112 = arith.select %eq3A_102, %roll3A_108, %roll3A_110 : vector<2048x128xi1>, vector<2048x128xi32>
      %gt3A_113 = arith.cmpf ogt, %select_n3A_92, %select_n3A_111 : vector<2048x128xf32>
      %eq3A_114 = arith.cmpf oeq, %select_n3A_92, %select_n3A_111 : vector<2048x128xf32>
      %gt3A_115 = arith.cmpi sgt, %select_n3A_93, %select_n3A_112 : vector<2048x128xi32>
      %and3A_116 = arith.andi %eq3A_114, %gt3A_115 : vector<2048x128xi1>
      %or3A_117 = arith.ori %gt3A_113, %and3A_116 : vector<2048x128xi1>
      %xor3A_118 = arith.xori %or3A_117, %eq3A_31 : vector<2048x128xi1>
      %xor3A_119 = arith.xori %xor3A_118, %eq3A_102 : vector<2048x128xi1>
      %sub3A_120 = arith.constant 12 : i32
      %sub3A_121 = arith.subi %scan3A_23, %sub3A_120 : i32
      %ge3A_122 = arith.constant 4 : i32
      %ge3A_123 = arith.cmpi sge, %sub3A_121, %ge3A_122 : i32
      %and3A_124 = vector.broadcast %ge3A_123 : i1 to vector<2048x128xi1>
      %and3A_125 = arith.andi %xor3A_119, %and3A_124 : vector<2048x128xi1>
      %select_n3A_126 = arith.select %and3A_125, %select_n3A_111, %select_n3A_92 : vector<2048x128xi1>, vector<2048x128xf32>
      %select_n3A_127 = arith.select %and3A_125, %select_n3A_112, %select_n3A_93 : vector<2048x128xi1>, vector<2048x128xi32>
      %shift_right_arithmetic3A_128 = arith.constant 3 : i32
      %shift_right_arithmetic3A_129 = vector.broadcast %shift_right_arithmetic3A_128 : i32 to vector<2048x128xi32>
      %shift_right_arithmetic3A_130 = arith.shrsi %iota3A_0, %shift_right_arithmetic3A_129 : vector<2048x128xi32>
      %and3A_131 = arith.constant 1 : i32
      %and3A_132 = vector.broadcast %and3A_131 : i32 to vector<2048x128xi32>
      %and3A_133 = arith.andi %shift_right_arithmetic3A_130, %and3A_132 : vector<2048x128xi32>
      %eq3A_134 = arith.constant 1 : i32
      %eq3A_135 = vector.broadcast %eq3A_134 : i32 to vector<2048x128xi32>
      %eq3A_136 = arith.cmpi eq, %and3A_133, %eq3A_135 : vector<2048x128xi32>
      %roll3A_137 = arith.constant 8 : i32
      %roll3A_138 = tpu.dynamic_rotate %select_n3A_126 by %roll3A_137 dim 1 : vector<2048x128xf32>, i32 -> vector<2048x128xf32>
      %roll3A_139 = arith.constant 120 : i32
      %roll3A_140 = tpu.dynamic_rotate %select_n3A_126 by %roll3A_139 dim 1 : vector<2048x128xf32>, i32 -> vector<2048x128xf32>
      %roll3A_141 = arith.constant 8 : i32
      %roll3A_142 = tpu.dynamic_rotate %select_n3A_127 by %roll3A_141 dim 1 : vector<2048x128xi32>, i32 -> vector<2048x128xi32>
      %roll3A_143 = arith.constant 120 : i32
      %roll3A_144 = tpu.dynamic_rotate %select_n3A_127 by %roll3A_143 dim 1 : vector<2048x128xi32>, i32 -> vector<2048x128xi32>
      %select_n3A_145 = arith.select %eq3A_136, %roll3A_138, %roll3A_140 : vector<2048x128xi1>, vector<2048x128xf32>
      %select_n3A_146 = arith.select %eq3A_136, %roll3A_142, %roll3A_144 : vector<2048x128xi1>, vector<2048x128xi32>
      %gt3A_147 = arith.cmpf ogt, %select_n3A_126, %select_n3A_145 : vector<2048x128xf32>
      %eq3A_148 = arith.cmpf oeq, %select_n3A_126, %select_n3A_145 : vector<2048x128xf32>
      %gt3A_149 = arith.cmpi sgt, %select_n3A_127, %select_n3A_146 : vector<2048x128xi32>
      %and3A_150 = arith.andi %eq3A_148, %gt3A_149 : vector<2048x128xi1>
      %or3A_151 = arith.ori %gt3A_147, %and3A_150 : vector<2048x128xi1>
      %xor3A_152 = arith.xori %or3A_151, %eq3A_31 : vector<2048x128xi1>
      %xor3A_153 = arith.xori %xor3A_152, %eq3A_136 : vector<2048x128xi1>
      %sub3A_154 = arith.constant 12 : i32
      %sub3A_155 = arith.subi %scan3A_23, %sub3A_154 : i32
      %ge3A_156 = arith.constant 3 : i32
      %ge3A_157 = arith.cmpi sge, %sub3A_155, %ge3A_156 : i32
      %and3A_158 = vector.broadcast %ge3A_157 : i1 to vector<2048x128xi1>
      %and3A_159 = arith.andi %xor3A_153, %and3A_158 : vector<2048x128xi1>
      %select_n3A_160 = arith.select %and3A_159, %select_n3A_145, %select_n3A_126 : vector<2048x128xi1>, vector<2048x128xf32>
      %select_n3A_161 = arith.select %and3A_159, %select_n3A_146, %select_n3A_127 : vector<2048x128xi1>, vector<2048x128xi32>
      %shift_right_arithmetic3A_162 = arith.constant 2 : i32
      %shift_right_arithmetic3A_163 = vector.broadcast %shift_right_arithmetic3A_162 : i32 to vector<2048x128xi32>
      %shift_right_arithmetic3A_164 = arith.shrsi %iota3A_0, %shift_right_arithmetic3A_163 : vector<2048x128xi32>
      %and3A_165 = arith.constant 1 : i32
      %and3A_166 = vector.broadcast %and3A_165 : i32 to vector<2048x128xi32>
      %and3A_167 = arith.andi %shift_right_arithmetic3A_164, %and3A_166 : vector<2048x128xi32>
      %eq3A_168 = arith.constant 1 : i32
      %eq3A_169 = vector.broadcast %eq3A_168 : i32 to vector<2048x128xi32>
      %eq3A_170 = arith.cmpi eq, %and3A_167, %eq3A_169 : vector<2048x128xi32>
      %roll3A_171 = arith.constant 4 : i32
      %roll3A_172 = tpu.dynamic_rotate %select_n3A_160 by %roll3A_171 dim 1 : vector<2048x128xf32>, i32 -> vector<2048x128xf32>
      %roll3A_173 = arith.constant 124 : i32
      %roll3A_174 = tpu.dynamic_rotate %select_n3A_160 by %roll3A_173 dim 1 : vector<2048x128xf32>, i32 -> vector<2048x128xf32>
      %roll3A_175 = arith.constant 4 : i32
      %roll3A_176 = tpu.dynamic_rotate %select_n3A_161 by %roll3A_175 dim 1 : vector<2048x128xi32>, i32 -> vector<2048x128xi32>
      %roll3A_177 = arith.constant 124 : i32
      %roll3A_178 = tpu.dynamic_rotate %select_n3A_161 by %roll3A_177 dim 1 : vector<2048x128xi32>, i32 -> vector<2048x128xi32>
      %select_n3A_179 = arith.select %eq3A_170, %roll3A_172, %roll3A_174 : vector<2048x128xi1>, vector<2048x128xf32>
      %select_n3A_180 = arith.select %eq3A_170, %roll3A_176, %roll3A_178 : vector<2048x128xi1>, vector<2048x128xi32>
      %gt3A_181 = arith.cmpf ogt, %select_n3A_160, %select_n3A_179 : vector<2048x128xf32>
      %eq3A_182 = arith.cmpf oeq, %select_n3A_160, %select_n3A_179 : vector<2048x128xf32>
      %gt3A_183 = arith.cmpi sgt, %select_n3A_161, %select_n3A_180 : vector<2048x128xi32>
      %and3A_184 = arith.andi %eq3A_182, %gt3A_183 : vector<2048x128xi1>
      %or3A_185 = arith.ori %gt3A_181, %and3A_184 : vector<2048x128xi1>
      %xor3A_186 = arith.xori %or3A_185, %eq3A_31 : vector<2048x128xi1>
      %xor3A_187 = arith.xori %xor3A_186, %eq3A_170 : vector<2048x128xi1>
      %sub3A_188 = arith.constant 12 : i32
      %sub3A_189 = arith.subi %scan3A_23, %sub3A_188 : i32
      %ge3A_190 = arith.constant 2 : i32
      %ge3A_191 = arith.cmpi sge, %sub3A_189, %ge3A_190 : i32
      %and3A_192 = vector.broadcast %ge3A_191 : i1 to vector<2048x128xi1>
      %and3A_193 = arith.andi %xor3A_187, %and3A_192 : vector<2048x128xi1>
      %select_n3A_194 = arith.select %and3A_193, %select_n3A_179, %select_n3A_160 : vector<2048x128xi1>, vector<2048x128xf32>
      %select_n3A_195 = arith.select %and3A_193, %select_n3A_180, %select_n3A_161 : vector<2048x128xi1>, vector<2048x128xi32>
      %shift_right_arithmetic3A_196 = arith.constant 1 : i32
      %shift_right_arithmetic3A_197 = vector.broadcast %shift_right_arithmetic3A_196 : i32 to vector<2048x128xi32>
      %shift_right_arithmetic3A_198 = arith.shrsi %iota3A_0, %shift_right_arithmetic3A_197 : vector<2048x128xi32>
      %and3A_199 = arith.constant 1 : i32
      %and3A_200 = vector.broadcast %and3A_199 : i32 to vector<2048x128xi32>
      %and3A_201 = arith.andi %shift_right_arithmetic3A_198, %and3A_200 : vector<2048x128xi32>
      %eq3A_202 = arith.constant 1 : i32
      %eq3A_203 = vector.broadcast %eq3A_202 : i32 to vector<2048x128xi32>
      %eq3A_204 = arith.cmpi eq, %and3A_201, %eq3A_203 : vector<2048x128xi32>
      %roll3A_205 = arith.constant 2 : i32
      %roll3A_206 = tpu.dynamic_rotate %select_n3A_194 by %roll3A_205 dim 1 : vector<2048x128xf32>, i32 -> vector<2048x128xf32>
      %roll3A_207 = arith.constant 126 : i32
      %roll3A_208 = tpu.dynamic_rotate %select_n3A_194 by %roll3A_207 dim 1 : vector<2048x128xf32>, i32 -> vector<2048x128xf32>
      %roll3A_209 = arith.constant 2 : i32
      %roll3A_210 = tpu.dynamic_rotate %select_n3A_195 by %roll3A_209 dim 1 : vector<2048x128xi32>, i32 -> vector<2048x128xi32>
      %roll3A_211 = arith.constant 126 : i32
      %roll3A_212 = tpu.dynamic_rotate %select_n3A_195 by %roll3A_211 dim 1 : vector<2048x128xi32>, i32 -> vector<2048x128xi32>
      %select_n3A_213 = arith.select %eq3A_204, %roll3A_206, %roll3A_208 : vector<2048x128xi1>, vector<2048x128xf32>
      %select_n3A_214 = arith.select %eq3A_204, %roll3A_210, %roll3A_212 : vector<2048x128xi1>, vector<2048x128xi32>
      %gt3A_215 = arith.cmpf ogt, %select_n3A_194, %select_n3A_213 : vector<2048x128xf32>
      %eq3A_216 = arith.cmpf oeq, %select_n3A_194, %select_n3A_213 : vector<2048x128xf32>
      %gt3A_217 = arith.cmpi sgt, %select_n3A_195, %select_n3A_214 : vector<2048x128xi32>
      %and3A_218 = arith.andi %eq3A_216, %gt3A_217 : vector<2048x128xi1>
      %or3A_219 = arith.ori %gt3A_215, %and3A_218 : vector<2048x128xi1>
      %xor3A_220 = arith.xori %or3A_219, %eq3A_31 : vector<2048x128xi1>
      %xor3A_221 = arith.xori %xor3A_220, %eq3A_204 : vector<2048x128xi1>
      %sub3A_222 = arith.constant 12 : i32
      %sub3A_223 = arith.subi %scan3A_23, %sub3A_222 : i32
      %ge3A_224 = arith.constant 1 : i32
      %ge3A_225 = arith.cmpi sge, %sub3A_223, %ge3A_224 : i32
      %and3A_226 = vector.broadcast %ge3A_225 : i1 to vector<2048x128xi1>
      %and3A_227 = arith.andi %xor3A_221, %and3A_226 : vector<2048x128xi1>
      %select_n3A_228 = arith.select %and3A_227, %select_n3A_213, %select_n3A_194 : vector<2048x128xi1>, vector<2048x128xf32>
      %select_n3A_229 = arith.select %and3A_227, %select_n3A_214, %select_n3A_195 : vector<2048x128xi1>, vector<2048x128xi32>
      %shift_right_arithmetic3A_230 = arith.constant 0 : i32
      %shift_right_arithmetic3A_231 = vector.broadcast %shift_right_arithmetic3A_230 : i32 to vector<2048x128xi32>
      %shift_right_arithmetic3A_232 = arith.shrsi %iota3A_0, %shift_right_arithmetic3A_231 : vector<2048x128xi32>
      %and3A_233 = arith.constant 1 : i32
      %and3A_234 = vector.broadcast %and3A_233 : i32 to vector<2048x128xi32>
      %and3A_235 = arith.andi %shift_right_arithmetic3A_232, %and3A_234 : vector<2048x128xi32>
      %eq3A_236 = arith.constant 1 : i32
      %eq3A_237 = vector.broadcast %eq3A_236 : i32 to vector<2048x128xi32>
      %eq3A_238 = arith.cmpi eq, %and3A_235, %eq3A_237 : vector<2048x128xi32>
      %roll3A_239 = arith.constant 1 : i32
      %roll3A_240 = tpu.dynamic_rotate %select_n3A_228 by %roll3A_239 dim 1 : vector<2048x128xf32>, i32 -> vector<2048x128xf32>
      %roll3A_241 = arith.constant 127 : i32
      %roll3A_242 = tpu.dynamic_rotate %select_n3A_228 by %roll3A_241 dim 1 : vector<2048x128xf32>, i32 -> vector<2048x128xf32>
      %roll3A_243 = arith.constant 1 : i32
      %roll3A_244 = tpu.dynamic_rotate %select_n3A_229 by %roll3A_243 dim 1 : vector<2048x128xi32>, i32 -> vector<2048x128xi32>
      %roll3A_245 = arith.constant 127 : i32
      %roll3A_246 = tpu.dynamic_rotate %select_n3A_229 by %roll3A_245 dim 1 : vector<2048x128xi32>, i32 -> vector<2048x128xi32>
      %select_n3A_247 = arith.select %eq3A_238, %roll3A_240, %roll3A_242 : vector<2048x128xi1>, vector<2048x128xf32>
      %select_n3A_248 = arith.select %eq3A_238, %roll3A_244, %roll3A_246 : vector<2048x128xi1>, vector<2048x128xi32>
      %gt3A_249 = arith.cmpf ogt, %select_n3A_228, %select_n3A_247 : vector<2048x128xf32>
      %eq3A_250 = arith.cmpf oeq, %select_n3A_228, %select_n3A_247 : vector<2048x128xf32>
      %gt3A_251 = arith.cmpi sgt, %select_n3A_229, %select_n3A_248 : vector<2048x128xi32>
      %and3A_252 = arith.andi %eq3A_250, %gt3A_251 : vector<2048x128xi1>
      %or3A_253 = arith.ori %gt3A_249, %and3A_252 : vector<2048x128xi1>
      %xor3A_254 = arith.xori %or3A_253, %eq3A_31 : vector<2048x128xi1>
      %xor3A_255 = arith.xori %xor3A_254, %eq3A_238 : vector<2048x128xi1>
      %sub3A_256 = arith.constant 12 : i32
      %sub3A_257 = arith.subi %scan3A_23, %sub3A_256 : i32
      %ge3A_258 = arith.constant 0 : i32
      %ge3A_259 = arith.cmpi sge, %sub3A_257, %ge3A_258 : i32
      %and3A_260 = vector.broadcast %ge3A_259 : i1 to vector<2048x128xi1>
      %and3A_261 = arith.andi %xor3A_255, %and3A_260 : vector<2048x128xi1>
      %select_n3A_262 = arith.select %and3A_261, %select_n3A_247, %select_n3A_228 : vector<2048x128xi1>, vector<2048x128xf32>
      %select_n3A_263 = arith.select %and3A_261, %select_n3A_248, %select_n3A_229 : vector<2048x128xi1>, vector<2048x128xi32>
      %scan3A_264 = arith.constant 0 : i32
      %scan3A_265 = arith.constant 8 : i32
      %scan3A_266 = arith.addi %scan3A_264, %scan3A_265 : i32
      %scan3A_267 = arith.constant 1 : i32
      %scan3A_268:2 = scf.for %scan3A_276 = %scan3A_264 to %scan3A_266 step %scan3A_267 iter_args(%scan3A_277 = %select_n3A_262, %scan3A_278 = %select_n3A_263) -> (vector<2048x128xf32>, vector<2048x128xi32>)  : i32 {
        %sub3A_279 = arith.constant 10 : i32
        %sub3A_280 = arith.subi %sub3A_279, %scan3A_276 : i32
        %shift_left3A = arith.constant 1 : i32
        %shift_left3A_281 = arith.shli %shift_left3A, %sub3A_280 : i32
        %multiple_of3A = tpu.assume_multiple %shift_left3A_281, 8 : i32
        %swap3A_282 = arith.constant 1024 : index
        %swap3A_283 = arith.constant 0 : index
        %swap3A_284 = vector.load %arg3[%swap3A_282, %swap3A_283] : memref<4096x128xf32, #tpu.memory_space<vmem>>, vector<2048x128xf32>
        tpu.vector_store %arg3[%swap3A_282, %swap3A_283], %scan3A_277 {strides = array<i32>} : memref<4096x128xf32, #tpu.memory_space<vmem>>, vector<2048x128xf32>,
        %swap3A_285 = arith.constant 1024 : index
        %swap3A_286 = arith.constant 0 : index
        %swap3A_287 = vector.load %arg4[%swap3A_285, %swap3A_286] : memref<4096x128xi32, #tpu.memory_space<vmem>>, vector<2048x128xi32>
        tpu.vector_store %arg4[%swap3A_285, %swap3A_286], %scan3A_278 {strides = array<i32>} : memref<4096x128xi32, #tpu.memory_space<vmem>>, vector<2048x128xi32>,
        %add3A_288 = arith.constant 1024 : i32
        %add3A_289 = arith.addi %add3A_288, %multiple_of3A : i32
        %get3A_290 = arith.index_cast %add3A_289 : i32 to index
        %get3A_291 = arith.constant 0 : index
        %get3A_292 = vector.load %arg3[%get3A_290, %get3A_291] : memref<4096x128xf32, #tpu.memory_space<vmem>>, vector<2048x128xf32>
        %sub3A_293 = arith.constant 1024 : i32
        %sub3A_294 = arith.subi %sub3A_293, %multiple_of3A : i32
        %get3A_295 = arith.index_cast %sub3A_294 : i32 to index
        %get3A_296 = arith.constant 0 : index
        %get3A_297 = vector.load %arg3[%get3A_295, %get3A_296] : memref<4096x128xf32, #tpu.memory_space<vmem>>, vector<2048x128xf32>
        %add3A_298 = arith.constant 1024 : i32
        %add3A_299 = arith.addi %add3A_298, %multiple_of3A : i32
        %get3A_300 = arith.index_cast %add3A_299 : i32 to index
        %get3A_301 = arith.constant 0 : index
        %get3A_302 = vector.load %arg4[%get3A_300, %get3A_301] : memref<4096x128xi32, #tpu.memory_space<vmem>>, vector<2048x128xi32>
        %sub3A_303 = arith.constant 1024 : i32
        %sub3A_304 = arith.subi %sub3A_303, %multiple_of3A : i32
        %get3A_305 = arith.index_cast %sub3A_304 : i32 to index
        %get3A_306 = arith.constant 0 : index
        %get3A_307 = vector.load %arg4[%get3A_305, %get3A_306] : memref<4096x128xi32, #tpu.memory_space<vmem>>, vector<2048x128xi32>
        %shift_right_arithmetic3A_308 = vector.broadcast %sub3A_280 : i32 to vector<2048x128xi32>
        %shift_right_arithmetic3A_309 = arith.shrsi %iota3A, %shift_right_arithmetic3A_308 : vector<2048x128xi32>
        %and3A_310 = arith.constant 1 : i32
        %and3A_311 = vector.broadcast %and3A_310 : i32 to vector<2048x128xi32>
        %and3A_312 = arith.andi %shift_right_arithmetic3A_309, %and3A_311 : vector<2048x128xi32>
        %eq3A_313 = arith.constant 1 : i32
        %eq3A_314 = vector.broadcast %eq3A_313 : i32 to vector<2048x128xi32>
        %eq3A_315 = arith.cmpi eq, %and3A_312, %eq3A_314 : vector<2048x128xi32>
        %select_n3A_316 = arith.select %eq3A_315, %get3A_297, %get3A_292 : vector<2048x128xi1>, vector<2048x128xf32>
        %select_n3A_317 = arith.select %eq3A_315, %get3A_307, %get3A_302 : vector<2048x128xi1>, vector<2048x128xi32>
        %gt3A_318 = arith.cmpf ogt, %scan3A_277, %select_n3A_316 : vector<2048x128xf32>
        %eq3A_319 = arith.cmpf oeq, %scan3A_277, %select_n3A_316 : vector<2048x128xf32>
        %gt3A_320 = arith.cmpi sgt, %scan3A_278, %select_n3A_317 : vector<2048x128xi32>
        %and3A_321 = arith.andi %eq3A_319, %gt3A_320 : vector<2048x128xi1>
        %or3A_322 = arith.ori %gt3A_318, %and3A_321 : vector<2048x128xi1>
        %xor3A_323 = arith.xori %or3A_322, %eq3A_31 : vector<2048x128xi1>
        %xor3A_324 = arith.xori %xor3A_323, %eq3A_315 : vector<2048x128xi1>
        %select_n3A_325 = arith.select %xor3A_324, %select_n3A_316, %scan3A_277 : vector<2048x128xi1>, vector<2048x128xf32>
        %select_n3A_326 = arith.select %xor3A_324, %select_n3A_317, %scan3A_278 : vector<2048x128xi1>, vector<2048x128xi32>
        scf.yield %select_n3A_325, %select_n3A_326 : vector<2048x128xf32>, vector<2048x128xi32>
      }
      %scan3A_269 = arith.constant 8 : i32
      %scan3A_270 = arith.constant 0 : i32
      %scan3A_271 = arith.constant 3 : i32
      %scan3A_272 = arith.addi %scan3A_270, %scan3A_271 : i32
      %scan3A_273 = arith.constant 1 : i32
      %scan3A_274:2 = scf.for %scan3A_276 = %scan3A_270 to %scan3A_272 step %scan3A_273 iter_args(%scan3A_277 = %scan3A_268#0, %scan3A_278 = %scan3A_268#1) -> (vector<2048x128xf32>, vector<2048x128xi32>)  : i32 {
        %sub3A_279 = arith.constant 2 : i32
        %sub3A_280 = arith.subi %sub3A_279, %scan3A_276 : i32
        %shift_left3A = arith.constant 1 : i32
        %shift_left3A_281 = arith.shli %shift_left3A, %sub3A_280 : i32
        %swap3A_282 = arith.constant 1024 : index
        %swap3A_283 = arith.constant 0 : index
        %swap3A_284 = vector.load %arg3[%swap3A_282, %swap3A_283] : memref<4096x128xf32, #tpu.memory_space<vmem>>, vector<2048x128xf32>
        tpu.vector_store %arg3[%swap3A_282, %swap3A_283], %scan3A_277 {strides = array<i32>} : memref<4096x128xf32, #tpu.memory_space<vmem>>, vector<2048x128xf32>,
        %swap3A_285 = arith.constant 1024 : index
        %swap3A_286 = arith.constant 0 : index
        %swap3A_287 = vector.load %arg4[%swap3A_285, %swap3A_286] : memref<4096x128xi32, #tpu.memory_space<vmem>>, vector<2048x128xi32>
        tpu.vector_store %arg4[%swap3A_285, %swap3A_286], %scan3A_278 {strides = array<i32>} : memref<4096x128xi32, #tpu.memory_space<vmem>>, vector<2048x128xi32>,
        %add3A_288 = arith.constant 1024 : i32
        %add3A_289 = arith.addi %add3A_288, %shift_left3A_281 : i32
        %get3A_290 = arith.index_cast %add3A_289 : i32 to index
        %get3A_291 = arith.constant 0 : index
        %get3A_292 = vector.load %arg3[%get3A_290, %get3A_291] : memref<4096x128xf32, #tpu.memory_space<vmem>>, vector<2048x128xf32>
        %sub3A_293 = arith.constant 1024 : i32
        %sub3A_294 = arith.subi %sub3A_293, %shift_left3A_281 : i32
        %get3A_295 = arith.index_cast %sub3A_294 : i32 to index
        %get3A_296 = arith.constant 0 : index
        %get3A_297 = vector.load %arg3[%get3A_295, %get3A_296] : memref<4096x128xf32, #tpu.memory_space<vmem>>, vector<2048x128xf32>
        %add3A_298 = arith.constant 1024 : i32
        %add3A_299 = arith.addi %add3A_298, %shift_left3A_281 : i32
        %get3A_300 = arith.index_cast %add3A_299 : i32 to index
        %get3A_301 = arith.constant 0 : index
        %get3A_302 = vector.load %arg4[%get3A_300, %get3A_301] : memref<4096x128xi32, #tpu.memory_space<vmem>>, vector<2048x128xi32>
        %sub3A_303 = arith.constant 1024 : i32
        %sub3A_304 = arith.subi %sub3A_303, %shift_left3A_281 : i32
        %get3A_305 = arith.index_cast %sub3A_304 : i32 to index
        %get3A_306 = arith.constant 0 : index
        %get3A_307 = vector.load %arg4[%get3A_305, %get3A_306] : memref<4096x128xi32, #tpu.memory_space<vmem>>, vector<2048x128xi32>
        %shift_right_arithmetic3A_308 = vector.broadcast %sub3A_280 : i32 to vector<2048x128xi32>
        %shift_right_arithmetic3A_309 = arith.shrsi %iota3A, %shift_right_arithmetic3A_308 : vector<2048x128xi32>
        %and3A_310 = arith.constant 1 : i32
        %and3A_311 = vector.broadcast %and3A_310 : i32 to vector<2048x128xi32>
        %and3A_312 = arith.andi %shift_right_arithmetic3A_309, %and3A_311 : vector<2048x128xi32>
        %eq3A_313 = arith.constant 1 : i32
        %eq3A_314 = vector.broadcast %eq3A_313 : i32 to vector<2048x128xi32>
        %eq3A_315 = arith.cmpi eq, %and3A_312, %eq3A_314 : vector<2048x128xi32>
        %select_n3A_316 = arith.select %eq3A_315, %get3A_297, %get3A_292 : vector<2048x128xi1>, vector<2048x128xf32>
        %select_n3A_317 = arith.select %eq3A_315, %get3A_307, %get3A_302 : vector<2048x128xi1>, vector<2048x128xi32>
        %gt3A_318 = arith.cmpf ogt, %scan3A_277, %select_n3A_316 : vector<2048x128xf32>
        %eq3A_319 = arith.cmpf oeq, %scan3A_277, %select_n3A_316 : vector<2048x128xf32>
        %gt3A_320 = arith.cmpi sgt, %scan3A_278, %select_n3A_317 : vector<2048x128xi32>
        %and3A_321 = arith.andi %eq3A_319, %gt3A_320 : vector<2048x128xi1>
        %or3A_322 = arith.ori %gt3A_318, %and3A_321 : vector<2048x128xi1>
        %xor3A_323 = arith.xori %or3A_322, %eq3A_31 : vector<2048x128xi1>
        %xor3A_324 = arith.xori %xor3A_323, %eq3A_315 : vector<2048x128xi1>
        %select_n3A_325 = arith.select %xor3A_324, %select_n3A_316, %scan3A_277 : vector<2048x128xi1>, vector<2048x128xf32>
        %select_n3A_326 = arith.select %xor3A_324, %select_n3A_317, %scan3A_278 : vector<2048x128xi1>, vector<2048x128xi32>
        scf.yield %select_n3A_325, %select_n3A_326 : vector<2048x128xf32>, vector<2048x128xi32>
      }
      %scan3A_275 = arith.constant 3 : i32
      scf.yield %scan3A_274#0, %scan3A_274#1 : vector<2048x128xf32>, vector<2048x128xi32>
    }
    %scan3A_15 = arith.constant 7 : i32
    %transpose3A_16 = tpu.transpose %scan3A_14#0, [1, 0] : vector<2048x128xf32> -> vector<128x2048xf32>
    %swap3A = arith.constant 0 : index
    %swap3A_17 = arith.constant 0 : index
    %swap3A_18 = vector.load %arg1[%swap3A, %swap3A_17] : memref<128x2048xf32, #tpu.memory_space<vmem>>, vector<128x2048xf32>
    tpu.vector_store %arg1[%swap3A, %swap3A_17], %transpose3A_16 {strides = array<i32>} : memref<128x2048xf32, #tpu.memory_space<vmem>>, vector<128x2048xf32>,
    %transpose3A_19 = tpu.transpose %scan3A_14#1, [1, 0] : vector<2048x128xi32> -> vector<128x2048xi32>
    %swap3A_20 = arith.constant 0 : index
    %swap3A_21 = arith.constant 0 : index
    %swap3A_22 = vector.load %arg2[%swap3A_20, %swap3A_21] : memref<128x2048xi32, #tpu.memory_space<vmem>>, vector<128x2048xi32>
    tpu.vector_store %arg2[%swap3A_20, %swap3A_21], %transpose3A_19 {strides = array<i32>} : memref<128x2048xi32, #tpu.memory_space<vmem>>, vector<128x2048xi32>,
    return
  }
}

</mosaic_0001>

<sc_bundles>
// kernel: kernel.4.cloned.1.call-start
scs
__scs_entry_jumppad:
0x0: {  	(pc) =	sbr.rel $0x88, $3  }
0x1: {  	(tag) =	ssettag $0x0;
	lr =	simm.s32 $0x1  }
0x2: {  	[smem:$0x3F9F] =	sst lr;
	_ =	strace $0xD0000000  }
0x3: {  	_ = 	snop  }
0x4: {  	_ = 	snop  }
0x5: {  	_ = 	snop  }
0x6: {  	_ = 	snop  }
0x7: {  	_ = 	snop  }
__scs_overlays_trampoline_lowered:
0x8: {  	[smem:$0x3FAE] =	sst s0  }
0x9: {  	[smem:$0x3FAF] =	sst s1  }
0xa: {  	[smem:$0x3FB0] =	sst s2  }
0xb: {  	[smem:$0x3FB1] =	sst s3  }
0xc: {  	[smem:$0x3FB2] =	sst s4  }
0xd: {  	[smem:$0x3FB3] =	sst s5  }
0xe: {  	[smem:$0x3FB4] =	sst s6  }
0xf: {  	[smem:$0x3FB5] =	sst s7  }
0x10: {  	[smem:$0x3FB6] =	sst s8  }
0x11: {  	[smem:$0x3FB7] =	sst s9;
	s0 =	simm.s32 @!p0 $0x0  }
0x12: {  	s1 =	sld [smem:$0x3F9D];
	s0 =	simm.s32 @p0 $0x1  }
0x13: {  	[smem:$0x3FB8] =	sst s0;
	s0 =	simm.s32 @!p1 $0x0  }
0x14: {  	s2 =	sld [smem:$0x3F9C];
	s0 =	simm.s32 @p1 $0x1  }
0x15: {  	[smem:$0x3FB9] =	sst s0;
	s0 =	simm.s32 @!p2 $0x0  }
0x16: {  	s3 =	sld [smem:$0x3FDB];
	s0 =	simm.s32 @p2 $0x1  }
0x17: {  	s4 =	simm.s32 $0x1BF5;
	[smem:$0x3FBB] =	sst s0  }
0x18: {  	s0 =	sld [smem:$0x3F9E];
	_ =	swait.ge [sflag:s4], $0x0  }
0x19: {  	s7 =	sld [smem:$0x3F9F]  }
0x1a: {  	s8 =	sadd.s32 $0xFFFFE003, lr  }
0x1b: {  	s9 =	sadd.s32 $0xFFFFFEF7, lr;
	s5 =	simm.s32 $0xFFFFFFFF;
	p2 =	slt.u32 s8, $0xFFFFF086  }
0x1c: {  	p1 =	slt.u32 s9, $0xF7A;
	s5 =	simm.s32 @!p2 $0x0  }
0x1d: {  	s5 =	simm.s32 @p1 $0x1;
	p0 =	seq.s32 s7, s2  }
0x1e: {  	s7 =	smul.u32 @!p0 $0xF7A, s2;
	p2 =	seq.s32 @!p0 s5, $0x0  }
0x1f: {  	s9 =	smul.u32 $0xF7A, s1;
	s8 =	simm.s32 @!p0 $0x1BF5;
	p2 =	por !p2, p0  }
0x20: {  	[sflag:s8] =	ssyncset.s32 @!p0 $0xFFFFF086;
	s6 =	sadd.s32 @!p0 s3, s7;
	s7 =	simm.s32 @!p0 $0x108  }
0x21: {  	s3 =	sadd.s32 s3, s9;
	s6 =	sadd.s32 @!p0 $0x88, s6;
	s7 =	simm.s32 @p2 $0x1082  }
0x22: {  	[simem:s7], [sflag:s8] =	dma.local @!p0 [hbm:s6], $0xF7A  }
0x23: {  	s9 =	sor.u32 $0xD0000000, s2;
	s6 =	simm.s32 $0x108;
	_ =	swait.ge @!p0 [sflag:s8], $0x0  }
0x24: {  	s3 =	sadd.s32 $0x88, s3;
	s6 =	simm.s32 @!p1 $0x1082;
	[sflag:s4] =	ssyncset.s32 $0xFFFFF086  }
0x25: {  	[simem:s6], [sflag:s4] =	dma.local [hbm:s3], $0xF7A  }
0x26: {  	[smem:$0x3F9F] =	sst s1;
	(tag) =	ssettag s2;
	_ =	strace s9  }
0x27: {  	s1 =	sld [smem:$0x3FAF]  }
0x28: {  	s2 =	sld [smem:$0x3FB0]  }
0x29: {  	s4 =	sld [smem:$0x3FB2]  }
0x2a: {  	p0 =	seq.s32 s5, $0x0;
	s5 =	sld [smem:$0x3FB3]  }
0x2b: {  	s6 =	sld [smem:$0x3FB4]  }
0x2c: {  	s7 =	sld [smem:$0x3FB5]  }
0x2d: {  	s3 =	simm.s32 $0x108;
	s8 =	sld [smem:$0x3FB6]  }
0x2e: {  	s3 =	simm.s32 @!p0 $0x1082;
	s9 =	sld [smem:$0x3FB7]  }
0x2f: {  	lr =	sadd.s32 s0, s3;
	s0 =	sld [smem:$0x3FAE]  }
0x30: {  	s3 =	sld [smem:$0x3FB1]  }
0x31: {  	[smem:$0x3FBA] =	sst s10  }
0x32: {  	s10 =	sld [smem:$0x3FB8];
	_ =	sdelay $0x3  }
0x33: {  	p0 =	seq.s32 s10, $0x1;
	s10 =	sld [smem:$0x3FBA];
	_ =	sdelay $0x3  }
0x34: {  	[smem:$0x3FBA] =	sst s10  }
0x35: {  	s10 =	sld [smem:$0x3FB9];
	_ =	sdelay $0x3  }
0x36: {  	p1 =	seq.s32 s10, $0x1;
	s10 =	sld [smem:$0x3FBA];
	_ =	sdelay $0x3  }
0x37: {  	[smem:$0x3FBA] =	sst s10  }
0x38: {  	s10 =	sld [smem:$0x3FBB]  }
0x39: {  	_ = 	snop;
	(pc) =	sbr.ind lr, $3  }
0x3a: {  	_ = 	snop  }
0x3b: {  	_ = 	snop  }
0x3c: {  	p2 =	seq.s32 s10, $0x1;
	s10 =	sld [smem:$0x3FBA]  }
0x3d: {  	_ =	shalt  }
0x3e: {  	_ =	shalt  }
0x3f: {  	_ =	shalt  }
0x40: {  	_ =	shalt  }
0x41: {  	_ =	shalt  }
0x42: {  	_ =	shalt  }
0x43: {  	_ =	shalt  }
0x44: {  	_ =	shalt  }
0x45: {  	_ =	shalt  }
0x46: {  	_ =	shalt  }
0x47: {  	_ =	shalt  }
0x48: {  	_ =	shalt  }
0x49: {  	_ =	shalt  }
0x4a: {  	_ =	shalt  }
0x4b: {  	_ =	shalt  }
0x4c: {  	_ =	shalt  }
0x4d: {  	_ =	shalt  }
0x4e: {  	_ =	shalt  }
0x4f: {  	_ =	shalt  }
0x50: {  	_ =	shalt  }
0x51: {  	_ =	shalt  }
0x52: {  	_ =	shalt  }
0x53: {  	_ =	shalt  }
0x54: {  	_ =	shalt  }
0x55: {  	_ =	shalt  }
0x56: {  	_ =	shalt  }
0x57: {  	_ =	shalt  }
0x58: {  	_ =	shalt  }
0x59: {  	_ =	shalt  }
0x5a: {  	_ =	shalt  }
0x5b: {  	_ =	shalt  }
0x5c: {  	_ =	shalt  }
0x5d: {  	_ =	shalt  }
0x5e: {  	_ =	shalt  }
0x5f: {  	_ =	shalt  }
0x60: {  	_ =	shalt  }
0x61: {  	_ =	shalt  }
0x62: {  	_ =	shalt  }
0x63: {  	_ =	shalt  }
0x64: {  	_ =	shalt  }
0x65: {  	_ =	shalt  }
0x66: {  	_ =	shalt  }
0x67: {  	_ =	shalt  }
0x68: {  	_ =	shalt  }
0x69: {  	_ =	shalt  }
0x6a: {  	_ =	shalt  }
0x6b: {  	_ =	shalt  }
0x6c: {  	_ =	shalt  }
0x6d: {  	_ =	shalt  }
0x6e: {  	_ =	shalt  }
0x6f: {  	_ =	shalt  }
0x70: {  	_ =	shalt  }
0x71: {  	_ =	shalt  }
0x72: {  	_ =	shalt  }
0x73: {  	_ =	shalt  }
0x74: {  	_ =	shalt  }
0x75: {  	_ =	shalt  }
0x76: {  	_ =	shalt  }
0x77: {  	_ =	shalt  }
0x78: {  	_ =	shalt  }
0x79: {  	_ =	shalt  }
0x7a: {  	_ =	shalt  }
0x7b: {  	_ =	shalt  }
0x7c: {  	_ =	shalt  }
0x7d: {  	_ =	shalt  }
0x7e: {  	_ =	shalt  }
0x7f: {  	_ =	shalt  }
0x80: {  	_ =	shalt  }
0x81: {  	_ =	shalt  }
0x82: {  	_ =	shalt  }
0x83: {  	_ =	shalt  }
0x84: {  	_ =	shalt  }
0x85: {  	_ =	shalt  }
0x86: {  	_ =	shalt  }
0x87: {  	_ =	shalt  }
.Lfunc_end0:
.L_simem_size_0:
called_computation.1_lowered:
.L_overlay_start_0:
0x88: {  	s2 =	sld [smem:$0x3FD9]  }
0x89: {  	s3 =	sld [smem:$0x3FFE];
	_ =	sdelay $0x1  }
0x8a: {  	s1 =	srdreg.scid  }
0x8b: {  	s0 =	sand.u32 $0x1, s1  }
0x8c: {  	s14 =	sshll.u32 s0, $0xA;
	s2 =	sadd.s32 s3, s2  }
0x8d: {  	s2 =	sadd.s32 s2, s14  }
0x8e: {  	[smem:$0x3FC6] =	sst s2  }
0x8f: {  	_ = 	snop  }
0x90: {  	s2 =	sld [smem:$0x3FD0];
	_ =	sdelay $0x2  }
0x91: {  	s15 =	simm.s32 $0xA;
	s4 =	simm.s32 $0x10  }
0x92: {  	[smem:s4], [sflag:s15] =	dma.local [hbm:s2], $0x1  }
0x93: {  	_ =	swait.eq [sflag:s15], $0x1  }
0x94: {  	[sflag:s15] =	ssyncset.done $0x0  }
0x95: {  	[sflag:s15] =	ssyncadd.s32 $0xFFFFFFFF  }
0x96: {  	s16 =	sld [smem:$0x11];
	(tm) =	ssettm $0x1  }
0x97: {  	s17 =	sld [smem:$0x3FFB];
	_ =	sdelay $0x3  }
0x98: {  	_ =	strace s17  }
0x99: {  	s3 =	sld [smem:$0x3FFC];
	_ =	sdelay $0x3  }
0x9a: {  	_ =	strace s3  }
0x9b: {  	s3 =	sld [smem:$0x3FFD];
	_ =	sdelay $0x3  }
0x9c: {  	_ =	strace s3  }
0x9d: {  	_ =	strace $0x8FFFFFFF  }
0x9e: {  	s18 =	sld [smem:$0x3FDB];
	_ =	sdelay $0x1  }
0x9f: {  	s19 =	simm.s32 $_scs_section_size  }
0xa0: {  	s5 =	simm.s32 $_size__tile_overlayer_lowered;
	s6 =	simm.s32 $_tile_overlayer_lowered  }
0xa1: {  	s22 =	simm.s32 $0x1BFF;
	s21 =	sshll.u32 s6, $0x1;
	s3 =	sadd.s32 s19, s18  }
0xa2: {  	s7 =	simm.s32 $0x0;
	s20 =	sshll.u32 s5, $0x1;
	s5 =	sadd.s32 s21, s3  }
0xa3: {  	[timem:s7], [sflag:s22] =	dma.local [hbm:s5], s20  }
0xa4: {  	_ =	swait.ge [sflag:s22], s20  }
0xa5: {  	s4 =	ssub.s32 $0x0, s20;
	[sflag:s22] =	ssyncset.done $0x0  }
0xa6: {  	[sflag:s22] =	ssyncadd.s32 s4;
	_ =	sdelay $0x1  }
0xa7: {  	s23 =	simm.s32 $0x1B8B  }
0xa8: {  	_ =	swait.ge [sflag:s23], $0x1  }
0xa9: {  	[sflag:s23] =	ssyncset.done $0x0  }
0xaa: {  	s25 =	simm.s32 $0x1B8E;
	s24 =	sld [smem:$0x3FFE];
	[sflag:s23] =	ssyncadd.s32 $0xFFFFFFFF  }
0xab: {  	s26 =	simm.s32 $execute0_lowered;
	[smem:$0x3FD2] =	sst s25  }
0xac: {  	s5 =	sshll.u32 s26, $0x1;
	_ =	strace $0x80000046;
	[dreg:$0x1] =	wrdreg $0xFFFFFFFF  }
0xad: {  	s28 =	simm.s32 $_size_execute0_lowered;
	s3 =	sadd.s32 s3, s5;
	[dreg:$0x0] =	wrdreg $0x0  }
0xae: {  	s5 =	sshll.u32 s28, $0x1;
	[dreg:$0x2] =	wrdreg s3  }
0xaf: {  	[dreg:$0x3] =	wrdreg s5  }
0xb0: {  	[dreg:$0x4] =	wrdreg $0xC0  }
0xb1: {  	_ =	task [dreg:s7], $0x5FFFF  }
0xb2: {  	[dreg:$0x1] =	wrdreg $0xFFFFFFFF  }
0xb3: {  	[dreg:$0x0] =	wrdreg $0x60  }
0xb4: {  	[dreg:$0x2] =	wrdreg s16  }
0xb5: {  	[dreg:$0x3] =	wrdreg s24  }
0xb6: {  	[dreg:$0x4] =	wrdreg $0x9  }
0xb7: {  	_ =	task.clear_ibuf [dreg:s7], $0x5FFFF;
	_ =	strace $0x90000046  }
0xb8: {  	s29 =	simm.s32 $0x9;
	_ =	strace $0x80000048  }
0xb9: {  	_ =	swait.ge [sflag:s29], $0x1  }
0xba: {  	[sflag:s29] =	ssyncadd.s32 $0xFFFFFFFF  }
0xbb: {  	_ =	strace $0x90000048  }
0xbc: {  	_ =	sfence  }
0xbd: {  	s30 =	sld [smem:$0x0];
	_ =	sdelay $0x2  }
0xbe: {  	s31 =	sshll.u32 s1, $0xD;
	s1 =	sshrl.u32 s1, $0x2  }
0xbf: {  	s3 =	sand.u32 $0x4000, s31;
	s1 =	sadd.s32 s1, s30  }
0xc0: {  	s0 =	sor.u32 s3, s0;
	s1 =	sshll.u32 s1, $0x11  }
0xc1: {  	s0 =	sor.u32 s1, s0  }
0xc2: {  	s0 =	sadd.s32 $0x8F2B, s0  }
0xc3: {  	[sflag:s0] =	ssyncadd.remote.s32 $0x1  }
0xc4: {  	_ =	sfence.sel $0xFFFF  }
0xc5: {  	[dreg:$0x0] =	wrdreg $0xFFFFFFFF;
	(pc) =	sbr.abs _section_cstart, $3  }
0xc6: {  	[dreg:$0x1] =	wrdreg $0xFFFFFFFF  }
0xc7: {  	_ =	task.clear_ibuf [dreg:s7], $0x2FFFF;
	_ =	strace $0x9FFFFFFF  }
0xc8: {  	(tm) =	ssettm $0x7FFFFFFF  }
0xc9: {  	_ =	shalt  }
tec
execute0_lowered:
.L_overlay_start_1:
0x0: {  	(tag) =	ssettag $0x1  }
0x1: {  	s1 =	srdreg.scid  }
0x2: {  	s2 =	rddreg [dreg:$0x0];
	s0 =	stileid.u32  }
0x3: {  	s4 =	rddreg [dreg:$0x1];
	s3 =	simm.s32 $0x0;
	s12 =	simm.s32 $0x4000  }
0x4: {  	s13 =	simm.s32 $0x1;
	s14 =	simm.s32 $0x2;
	s15 =	simm.s32 $0x1F80  }
0x5: {  	s16 =	simm.s32 $0x0;
	s8 =	sand.u32 $0x1, s1;
	s1 =	rddreg [dreg:$0x2]  }
0x6: {  	s5 =	sshll.u32 s0, $0x7;
	[smem:$0x7FF] =	sst s3;
	s9 =	sadd.s32 $0x8A00, s4  }
0x7: {  	s11 =	sshll.u32 s0, $0x11;
	s6 =	sshll.u32 s8, $0x6;
	_ =	strace $0x80000047  }
0x8: {  	s7 =	ssub.s32 $0x2, s8;
	s8 =	sshll.u32 s8, $0x10;
	s5 =	sor.u32 s6, s5  }
0x9: {  	s31 =	sshrl.u32 s7, $0x1;
	s6 =	sshll.u32 s5, $0x4;
	s5 =	sshll.u32 s5, $0xA  }
0xa: {  	s7 =	ssub.s32 s7, s31;
	s6 =	sadd.s32 s6, s4;
	s10 =	sadd.s32 s5, s9  }
0xb: {  	s5 =	smax.u32 s7, $0x1;
	s9 =	sadd.s32 s11, s9;
	s11 =	simm.s32 $0x80  }
0xc: {  	s4 =	sadd.s32 $0xA00, s6;
	s6 =	sadd.s32 $0xF800, s10;
	s7 =	sadd.s32 $0xFC00, s10  }
0xd: {  	s8 =	sadd.s32 s8, s9;
	s9 =	simm.s32 $0x3;
	s10 =	simm.s32 $0x2000  }
.LBB2_1:
0xe: {  	[tilespmem:s3], [sflag:$0x3] =	stream.linear.gather [hbm4b:s4+s3], $0x2000, $0x38;
	[tilespmem:$0x6000] =	vst v63  }
0xf: {  	_ =	swait.ge [sflag:s9], $0x2000  }
0x10: {  	[sflag:s9] =	ssyncset.done $0x0  }
0x11: {  	[sflag:s9] =	ssyncadd.s32 $0xFFFFE000  }
0x12: {  	[tilespmem:s10], [sflag:$0x1] =	stream.indirect.gather [hbm4b:s2+s11], $0x40, s3, s11, $0xb8;
	[tilespmem:$0x6000] =	vst v63  }
0x13: {  	_ = 	snop  }
0x14: {  	[tilespmem:s12], [sflag:$0x2] =	stream.indirect.gather [hbm4b:s2+s11], $0x40, s11, s11, $0xb8;
	[tilespmem:$0x6000] =	vst v63  }
0x15: {  	_ =	swait.ge [sflag:s13], $0x2000  }
0x16: {  	[sflag:s13] =	ssyncset.done $0x0  }
0x17: {  	s17 =	sadd.s32 $0x0, s8;
	[sflag:s13] =	ssyncadd.s32 $0xFFFFE000  }
0x18: {  	[hbm4b:s17+s3] =	stream.linear.scatter [tilespmem:s10], [sflag:$0x3], $0x2000, $0x38;
	[tilespmem:$0x6000] =	vst v63  }
0x19: {  	_ =	swait.ge [sflag:s9], $0x2000  }
0x1a: {  	[sflag:s9] =	ssyncset.done $0x0  }
0x1b: {  	s18 =	simm.s32 $0x100;
	[sflag:s9] =	ssyncadd.s32 $0xFFFFE000  }
0x1c: {  	[tilespmem:s10], [sflag:$0x1] =	stream.indirect.gather [hbm4b:s2+s11], $0x40, s18, s11, $0xb8;
	[tilespmem:$0x6000] =	vst v63  }
0x1d: {  	_ =	swait.ge [sflag:s14], $0x2000  }
0x1e: {  	[sflag:s14] =	ssyncset.done $0x0  }
0x1f: {  	s17 =	sadd.s32 $0x400, s17;
	[sflag:s14] =	ssyncadd.s32 $0xFFFFE000  }
0x20: {  	[hbm4b:s17+s3] =	stream.linear.scatter [tilespmem:s12], [sflag:$0x3], $0x2000, $0x38;
	[tilespmem:$0x6000] =	vst v63  }
0x21: {  	_ =	swait.ge [sflag:s9], $0x2000  }
0x22: {  	s18 =	simm.s32 $0x80;
	s17 =	simm.s32 $0x800;
	[sflag:s9] =	ssyncset.done $0x0  }
.LBB2_2:
0x23: {  	p0 =	sne.s32 s17, $0xF000;
	[sflag:s9] =	ssyncadd.s32 $0xFFFFE000;
	s18 =	sadd.s32 $0x100, s18  }
0x24: {  	[tilespmem:s12], [sflag:$0x2] =	stream.indirect.gather [hbm4b:s2+s11], $0x40, s18, s11, $0xb8;
	[tilespmem:$0x6000] =	vst v63  }
0x25: {  	s19 =	smov.u32 s17;
	s17 =	sadd.s32 $0x800, s17;
	_ =	swait.ge [sflag:s13], $0x2000  }
0x26: {  	[sflag:s13] =	ssyncset.done $0x0  }
0x27: {  	s19 =	sadd.s32 s19, s8;
	[sflag:s13] =	ssyncadd.s32 $0xFFFFE000  }
0x28: {  	[hbm4b:s19+s3] =	stream.linear.scatter [tilespmem:s10], [sflag:$0x3], $0x2000, $0x38;
	[tilespmem:$0x6000] =	vst v63  }
0x29: {  	_ =	swait.ge [sflag:s9], $0x2000  }
0x2a: {  	[sflag:s9] =	ssyncset.done $0x0  }
0x2b: {  	s20 =	sadd.s32 $0x80, s18;
	[sflag:s9] =	ssyncadd.s32 $0xFFFFE000  }
0x2c: {  	[tilespmem:s10], [sflag:$0x1] =	stream.indirect.gather [hbm4b:s2+s11], $0x40, s20, s11, $0xb8;
	[tilespmem:$0x6000] =	vst v63  }
0x2d: {  	_ =	swait.ge [sflag:s14], $0x2000  }
.Ltmp0:
0x2e: {  	[sflag:s14] =	ssyncset.done $0x0;
	(pc) =	sbr.rel @p0 .LBB2_2-.Ltmp0, $4  }
0x2f: {  	s19 =	sadd.s32 $0x400, s19;
	[sflag:s14] =	ssyncadd.s32 $0xFFFFE000  }
0x30: {  	[hbm4b:s19+s3] =	stream.linear.scatter [tilespmem:s12], [sflag:$0x3], $0x2000, $0x38;
	[tilespmem:$0x6000] =	vst v63  }
0x31: {  	_ =	swait.ge [sflag:s9], $0x2000  }
0x32: {  	[sflag:s9] =	ssyncset.done $0x0  }
0x33: {  	[sflag:s9] =	ssyncadd.s32 $0xFFFFE000  }
0x34: {  	[tilespmem:s12], [sflag:$0x2] =	stream.indirect.gather [hbm4b:s2+s11], $0x40, s15, s11, $0xb8;
	[tilespmem:$0x6000] =	vst v63  }
0x35: {  	_ =	swait.ge [sflag:s13], $0x2000  }
0x36: {  	[sflag:s13] =	ssyncset.done $0x0  }
0x37: {  	[sflag:s13] =	ssyncadd.s32 $0xFFFFE000  }
0x38: {  	[hbm4b:s6+s3] =	stream.linear.scatter [tilespmem:s10], [sflag:$0x3], $0x2000, $0x38;
	[tilespmem:$0x6000] =	vst v63  }
0x39: {  	_ =	swait.ge [sflag:s9], $0x2000  }
0x3a: {  	[sflag:s9] =	ssyncset.done $0x0  }
0x3b: {  	[sflag:s9] =	ssyncadd.s32 $0xFFFFE000  }
0x3c: {  	s16 =	sadd.s32 $0x1, s16;
	_ =	swait.ge [sflag:s14], $0x2000  }
0x3d: {  	p0 =	sne.s32 s16, s5;
	[sflag:s14] =	ssyncset.done $0x0  }
.Ltmp1:
0x3e: {  	[sflag:s14] =	ssyncadd.s32 $0xFFFFE000;
	(pc) =	sbr.rel @p0 .LBB2_1-.Ltmp1, $4  }
0x3f: {  	[hbm4b:s7+s3] =	stream.linear.scatter [tilespmem:s12], [sflag:$0x3], $0x2000, $0x38;
	[tilespmem:$0x6000] =	vst v63  }
0x40: {  	_ =	swait.ge [sflag:s9], $0x2000  }
0x41: {  	[sflag:s9] =	ssyncset.done $0x0  }
0x42: {  	[sflag:s9] =	ssyncadd.s32 $0xFFFFE000  }
0x43: {  	_ =	sfence.sel $0x180000  }
0x44: {  	[bflag:$0x0] =	sbarrier.arrive $0xFFFF  }
0x45: {  	p0 =	sne.s32 s0, $0x0;
	_ =	strace $0x90000047  }
0x46: {  	s0 =	sadd.s32 @!p0 $0x100000, s1;
	[bflag:$0x2] =	sbarrier.arrive $0xFFFF  }
0x47: {  	[sflag:s0] =	ssyncadd.tile.s32 @!p0 $0x1;
	_ =	shalt  }
.Lfunc_end2:
_tile_overlayer_lowered:
.L_overlay_start_2:
0x48: {  	(tag) =	ssettag $0x2  }
0x49: {  	s0 =	rddreg [dreg:$0x0];
	s2 =	stileid.u32  }
0x4a: {  	s1 =	rddreg [dreg:$0x1];
	p0 =	sne.s32 s2, $0x0  }
0x4b: {  	s3 =	rddreg [dreg:$0x2];
	[bflag:$0x3] =	sbarrier.arrive $0xFFFF;
	s2 =	simm.s32 @!p0 $0x1C03  }
0x4c: {  	[timem:s3], [sflag:s2] =	dma.local @!p0 [hbm:s0], s1  }
0x4d: {  	s0 =	simm.s32 @!p0 $0x3  }
0x4e: {  	_ =	swait.ge @!p0 [sflag:s0], s1  }
0x4f: {  	s1 =	ssub.s32 @!p0 $0x0, s1;
	[sflag:s0] =	ssyncset.done @!p0 $0x0  }
0x50: {  	[sflag:s0] =	ssyncadd.s32 @!p0 s1  }
0x51: {  	[bflag:$0x3] =	sbarrier.arrive $0xFFFF  }
0x52: {  	_ =	shalt  }

// kernel: sparse-core-data-format-call.cloned.1.call-start
scs
called_computation_lowered:
.L_overlay_start_0:
0x0: {  	s2 =	sld [smem:$0x3FD9]  }
0x1: {  	s3 =	sld [smem:$0x3FFE];
	_ =	sdelay $0x1  }
0x2: {  	s1 =	srdreg.scid  }
0x3: {  	s0 =	sand.u32 $0x1, s1  }
0x4: {  	s15 =	sshll.u32 s0, $0xA;
	s2 =	sadd.s32 s3, s2  }
0x5: {  	s2 =	sadd.s32 s2, s15  }
0x6: {  	[smem:$0x3FC6] =	sst s2  }
0x7: {  	_ = 	snop  }
0x8: {  	s2 =	sld [smem:$0x3FD0];
	_ =	sdelay $0x2  }
0x9: {  	s16 =	simm.s32 $0xA;
	s4 =	simm.s32 $0x10  }
0xa: {  	[smem:s4], [sflag:s16] =	dma.local [hbm:s2], $0x1  }
0xb: {  	_ =	swait.eq [sflag:s16], $0x1  }
0xc: {  	[sflag:s16] =	ssyncset.done $0x0  }
0xd: {  	[sflag:s16] =	ssyncadd.s32 $0xFFFFFFFF  }
0xe: {  	s17 =	sld [smem:$0x11];
	(tm) =	ssettm $0x1  }
0xf: {  	s18 =	sld [smem:$0x3FFB];
	_ =	sdelay $0x3  }
0x10: {  	_ =	strace s18  }
0x11: {  	s3 =	sld [smem:$0x3FFC];
	_ =	sdelay $0x3  }
0x12: {  	_ =	strace s3  }
0x13: {  	s3 =	sld [smem:$0x3FFD];
	_ =	sdelay $0x3  }
0x14: {  	_ =	strace s3  }
0x15: {  	_ =	strace $0x8FFFFFFF  }
0x16: {  	s19 =	sld [smem:$0x3FDB];
	_ =	sdelay $0x1  }
0x17: {  	s20 =	simm.s32 $_scs_section_size  }
0x18: {  	s5 =	simm.s32 $_size__tile_overlayer_lowered;
	s6 =	simm.s32 $_tile_overlayer_lowered  }
0x19: {  	s23 =	simm.s32 $0x1BFF;
	s22 =	sshll.u32 s6, $0x1;
	s3 =	sadd.s32 s20, s19  }
0x1a: {  	s7 =	simm.s32 $0x0;
	s21 =	sshll.u32 s5, $0x1;
	s5 =	sadd.s32 s22, s3  }
0x1b: {  	[timem:s7], [sflag:s23] =	dma.local [hbm:s5], s21  }
0x1c: {  	_ =	swait.ge [sflag:s23], s21  }
0x1d: {  	s4 =	ssub.s32 $0x0, s21;
	[sflag:s23] =	ssyncset.done $0x0  }
0x1e: {  	[sflag:s23] =	ssyncadd.s32 s4;
	_ =	sdelay $0x1  }
0x1f: {  	s24 =	simm.s32 $0x1B8B  }
0x20: {  	_ =	swait.ge [sflag:s24], $0x1  }
0x21: {  	[sflag:s24] =	ssyncset.done $0x0  }
0x22: {  	s26 =	simm.s32 $0x1B8E;
	s25 =	sld [smem:$0x3FFE];
	[sflag:s24] =	ssyncadd.s32 $0xFFFFFFFF  }
0x23: {  	s27 =	simm.s32 $execute0_lowered;
	[smem:$0x3FD2] =	sst s26  }
0x24: {  	s5 =	sshll.u32 s27, $0x1;
	_ =	strace $0x80000049;
	[dreg:$0x1] =	wrdreg $0xFFFFFFFF  }
0x25: {  	s28 =	simm.s32 $_size_execute0_lowered;
	s3 =	sadd.s32 s3, s5;
	[dreg:$0x0] =	wrdreg $0x0  }
0x26: {  	s5 =	sshll.u32 s28, $0x1;
	[dreg:$0x2] =	wrdreg s3  }
0x27: {  	[dreg:$0x3] =	wrdreg s5  }
0x28: {  	[dreg:$0x4] =	wrdreg $0xC0  }
0x29: {  	_ =	task [dreg:s7], $0x5FFFF  }
0x2a: {  	[dreg:$0x1] =	wrdreg $0xFFFFFFFF  }
0x2b: {  	[dreg:$0x0] =	wrdreg $0x60  }
0x2c: {  	[dreg:$0x2] =	wrdreg s25  }
0x2d: {  	[dreg:$0x3] =	wrdreg s17  }
0x2e: {  	[dreg:$0x4] =	wrdreg $0x9  }
0x2f: {  	_ =	task.clear_ibuf [dreg:s7], $0x5FFFF;
	_ =	strace $0x90000049  }
0x30: {  	s29 =	simm.s32 $0x9;
	_ =	strace $0x8000004B  }
0x31: {  	_ =	swait.ge [sflag:s29], $0x1  }
0x32: {  	[sflag:s29] =	ssyncadd.s32 $0xFFFFFFFF  }
0x33: {  	_ =	strace $0x9000004B  }
0x34: {  	_ =	sfence  }
0x35: {  	s30 =	sld [smem:$0x0];
	_ =	sdelay $0x2  }
0x36: {  	s31 =	sshll.u32 s1, $0xD;
	s1 =	sshrl.u32 s1, $0x2  }
0x37: {  	s3 =	sand.u32 $0x4000, s31;
	s1 =	sadd.s32 s1, s30  }
0x38: {  	s0 =	sor.u32 s3, s0;
	s1 =	sshll.u32 s1, $0x11  }
0x39: {  	s0 =	sor.u32 s1, s0  }
0x3a: {  	s0 =	sadd.s32 $0x8F2B, s0  }
0x3b: {  	[sflag:s0] =	ssyncadd.remote.s32 $0x1  }
0x3c: {  	_ =	sfence.sel $0xFFFF  }
0x3d: {  	[dreg:$0x0] =	wrdreg $0xFFFFFFFF;
	(pc) =	sbr.abs _section_cstart, $3  }
0x3e: {  	[dreg:$0x1] =	wrdreg $0xFFFFFFFF  }
0x3f: {  	_ =	task.clear_ibuf [dreg:s7], $0x2FFFF;
	_ =	strace $0x9FFFFFFF  }
0x40: {  	(tm) =	ssettm $0x7FFFFFFF  }
0x41: {  	_ =	shalt  }
tec
execute0_lowered:
.L_overlay_start_1:
0x0: {  	(tag) =	ssettag $0x1  }
0x1: {  	s0 =	srdreg.scid  }
0x2: {  	s1 =	sshll.u32 s0, $0x4  }
0x3: {  	s4 =	rddreg [dreg:$0x0];
	s0 =	stileid.u32;
	s1 =	sand.u32 $0x10, s1  }
0x4: {  	s2 =	rddreg [dreg:$0x1];
	s7 =	simm.s32 $0x1;
	s1 =	sor.u32 s0, s1  }
0x5: {  	s8 =	simm.s32 $0x2;
	s11 =	simm.s32 $0x0;
	s3 =	sshll.u32 s1, $0x7  }
0x6: {  	s10 =	simm.s32 $0x0;
	s4 =	sadd.s32 $0x208A00, s4;
	s6 =	ssub.s32 $0x40000, s3  }
.Ltmp0:
0x7: {  	s1 =	rddreg [dreg:$0x2];
	s5 =	sand.u32 $0xF80, s6;
	(pc) =	sbr.rel .LBB1_1-.Ltmp0, $4  }
0x8: {  	_ =	strace $0x8000004A;
	s9 =	smov.u32 s3;
	p0 =	sne.s32 s5, $0x0  }
0x9: {  	s6 =	sshrl.u32 s6, $0xC;
	s5 =	simm.s32 $0x1;
	s7 =	simm.s32 @!p0 $0x0  }
0xa: {  	[sflag:s5] =	ssyncpa.u1 $0x0;
	p0 =	por $0x0, $0x0;
	s6 =	sadd.s32 s7, s6  }
0xb: {  	[sflag:s8] =	ssyncpa.u1 $0x0;
	s8 =	simm.s32 $0x200000;
	s7 =	sadd.s32 $0x1, s6  }
.LBB1_4:
0xc: {  	s14 =	sshll.u32 s11, $0x3  }
0xd: {  	s15 =	sand.u32 $0x78, s11;
	s14 =	sand.u32 $0x3FC00, s14  }
0xe: {  	[tilespmem:s13+$0x810 ss:$0x81] =	vst.msk $0xffff, v2;
	s29 =	sand.u32 $0x1F8000, s11;
	s30 =	sand.u32 $0x7, s11;
	s14 =	sor.u32 s15, s14  }
0xf: {  	[tilespmem:s13+$0x1020 ss:$0x81] =	vst.msk $0xffff, v0;
	s11 =	sshll.u32 s30, $0x12;
	s15 =	sadd.s32 s2, s29;
	s14 =	sshrl.u32 s14, $0x3  }
0x10: {  	[tilespmem:s13+$0x0 ss:$0x81] =	vst.msk $0xffff, v1;
	s11 =	sor.u32 $0x400, s11;
	s31 =	sadd.s32 s14, s15  }
0x11: {  	[hbm4b:s31+s11] =	stream.strided.scatter [tilespmem:s12], [sflag:$0x2], $0x2000, s8, s11, $0x20;
	[tilespmem:$0x8080] =	vst v63  }
.LBB1_5:
0x12: {  	s13 =	sadd.s32 $0x1000, s9  }
0x13: {  	p2 =	sgt.s32 s13, $0x3FFFF  }
0x14: {  	s13 =	smov.u32 @p2 s3;
	p2 =	sne.s32 s10, s7  }
.Ltmp1:
0x15: {  	p1 =	slt.u32 s10, $0x2;
	(pc) =	sbr.rel @!p2 .LBB1_6-.Ltmp1, $4  }
0x16: {  	s12 =	simm.s32 @!p1 $0x2  }
0x17: {  	s14 =	sadd.s32 $0x1, s10;
	_ =	swait.ge @!p1 [sflag:s12], $0x2000  }
0x18: {  	s11 =	smov.u32 s9;
	p0 =	por !p0, !p0;
	[sflag:s12] =	ssyncset.done @!p1 $0x0  }
0x19: {  	s10 =	smov.u32 s14;
	s9 =	smov.u32 s13;
	[sflag:s12] =	ssyncadd.s32 @!p1 $0xFFFFE000  }
.LBB1_1:
0x1a: {  	p1 =	sge.u32 s10, s6  }
0x1b: {  	s31 =	sadd.s32 $0xFFFFFFFF, s10;
	s12 =	sxor.u32 @!p1 $0xFFFFFFFF, s10;
	s13 =	sshll.u32 @!p1 s9, $0x4  }
0x1c: {  	s14 =	simm.s32 @!p1 $0x40;
	s12 =	sshll.u32 @!p1 s12, $0xD;
	s13 =	sand.u32 @!p1 $0x3FFFF0, s13  }
0x1d: {  	s15 =	simm.s32 @!p1 $0x80;
	s12 =	sand.u32 @!p1 $0x2000, s12;
	s13 =	sadd.s32 @!p1 s4, s13  }
0x1e: {  	[tilespmem:s12], [sflag:$0x1] =	stream.strided.gather @!p1 [hbm4b:s13+s14], $0x2000, s15, s14, $0x38;
	[tilespmem:$0x8080] =	vst v63  }
0x1f: {  	p1 =	sge.u32 s31, s6  }
.Ltmp2:
0x20: {  	_ = 	snop;
	(pc) =	sbr.rel @p1 .LBB1_5-.Ltmp2, $1  }
0x21: {  	_ =	sdelay $0x3  }
0x22: {  	s12 =	simm.s32 $0x1  }
0x23: {  	_ =	swait.ge [sflag:s5], $0x2000;
	s12 =	simm.s32 @!p0 $0x0  }
0x24: {  	[sflag:s5] =	ssyncset.done $0x0;
	s13 =	sshll.u32 s12, $0xD  }
0x25: {  	[sflag:s5] =	ssyncadd.s32 $0xFFFFE000;
	s16 =	sor.u32 $0x20, s13  }
0x26: {  	s12 =	smul.u32 $0x8100, s12;
	v3 =	vld [tilespmem:s16+$0x10]  }
0x27: {  	s30 =	sand.u32 $0x1, s10;
	v2 =	vld [tilespmem:s16+$0xFFFFFFF0]  }
0x28: {  	s13 =	smul.u32 $0x8100, s30;
	s12 =	sshrl.u32 s12, $0x2;
	v0 =	vld [tilespmem:s16+$0x0]  }
0x29: {  	v1 =	vld [tilespmem:s16+$0xFFFFFFE0];
	s14 =	sor.u32 $0x4000, s12  }
0x2a: {  	s31 =	sshrl.u32 s13, $0x2;
	s13 =	sadd.s32 $0x0, s14  }
0x2b: {  	s15 =	simm.s32 $0x4;
	s16 =	sadd.s32 $0x40, s16;
	s12 =	sor.u32 $0x4000, s31;
	[tilespmem:s13+$0x1830 ss:$0x81] =	vst.msk $0xffff, v3  }
.LBB1_3:
0x2c: {  	v3 =	vld [tilespmem:s16+$0x10];
	p1 =	sne.s32 s15, $0x1FC;
	[tilespmem:s13+$0x810 ss:$0x81] =	vst.msk $0xffff, v2;
	s17 =	smov.u32 s15;
	s15 =	sadd.s32 $0x4, s15  }
.Ltmp3:
0x2d: {  	v2 =	vld [tilespmem:s16+$0xFFFFFFF0];
	[tilespmem:s13+$0x1020 ss:$0x81] =	vst.msk $0xffff, v0;
	(pc) =	sbr.rel @p1 .LBB1_3-.Ltmp3, $4  }
0x2e: {  	v0 =	vld [tilespmem:s16+$0x0];
	[tilespmem:s13+$0x0 ss:$0x81] =	vst.msk $0xffff, v1  }
0x2f: {  	s13 =	sshra.s32 s17, $0x2;
	v1 =	vld [tilespmem:s16+$0xFFFFFFE0]  }
0x30: {  	s13 =	sadd.s32 s13, s14  }
0x31: {  	s16 =	sadd.s32 $0x40, s16;
	[tilespmem:s13+$0x1830 ss:$0x81] =	vst.msk $0xffff, v3  }
.Ltmp4:
0x32: {  	_ = 	snop;
	(pc) =	sbr.rel .LBB1_4-.Ltmp4, $1  }
0x33: {  	_ =	sdelay $0x3  }
.LBB1_6:
0x34: {  	_ =	sfence.sel $0x180000  }
0x35: {  	s2 =	simm.s32 $0x1;
	[bflag:$0x0] =	sbarrier.arrive $0xFFFF  }
0x36: {  	s31 =	simm.s32 $0x2;
	[sflag:s2] =	ssyncpa.u1 $0x1  }
0x37: {  	[sflag:s31] =	ssyncpa.u1 $0x1  }
0x38: {  	p0 =	sne.s32 s0, $0x0;
	_ =	strace $0x9000004A  }
0x39: {  	s0 =	sadd.s32 @!p0 $0x100000, s1;
	[bflag:$0x2] =	sbarrier.arrive $0xFFFF  }
0x3a: {  	[sflag:s0] =	ssyncadd.tile.s32 @!p0 $0x1;
	_ =	shalt  }
.Lfunc_end1:
_tile_overlayer_lowered:
.L_overlay_start_2:
0x3b: {  	(tag) =	ssettag $0x2  }
0x3c: {  	s0 =	rddreg [dreg:$0x0];
	s2 =	stileid.u32  }
0x3d: {  	s1 =	rddreg [dreg:$0x1];
	p0 =	sne.s32 s2, $0x0  }
0x3e: {  	s3 =	rddreg [dreg:$0x2];
	[bflag:$0x3] =	sbarrier.arrive $0xFFFF;
	s2 =	simm.s32 @!p0 $0x1C01  }
0x3f: {  	[timem:s3], [sflag:s2] =	dma.local @!p0 [hbm:s0], s1  }
0x40: {  	s0 =	simm.s32 @!p0 $0x1  }
0x41: {  	_ =	swait.ge @!p0 [sflag:s0], s1  }
0x42: {  	s1 =	ssub.s32 @!p0 $0x0, s1;
	[sflag:s0] =	ssyncset.done @!p0 $0x0  }
0x43: {  	[sflag:s0] =	ssyncadd.s32 @!p0 s1  }
0x44: {  	[bflag:$0x3] =	sbarrier.arrive $0xFFFF  }
0x45: {  	_ =	shalt  }

</sc_bundles>
